<compile_context>
chip_gen: v7x
topology: tpu7x:2x2x1
jax: 0.10.2.dev20260603
libtpu: 0.0.44.dev20260713+nightly
codegen_flags: <defaults>
</compile_context>

<pallas_src>
import functools

import jax
import jax.numpy as jnp
from jax import lax
from jax.experimental import pallas as pl
from jax.experimental.pallas import tpu as pltpu
from jax.experimental.pallas import tpu_sc as plsc

_INFO = plsc.get_sparse_core_info()
_NC, _NS = _INFO.num_cores, _INFO.num_subcores
_NW = _NC * _NS

_NSLOT = 2
_MAX_CHUNK = 48


def _chunk_sizes(rows):
    sizes = [_MAX_CHUNK] * (rows // _MAX_CHUNK)
    if rows % _MAX_CHUNK:
        sizes.append(rows % _MAX_CHUNK)
    return sizes


@functools.lru_cache(maxsize=None)
def _make_sc_broadcast(batch, seq_len, d_model):
    rows_per_w = seq_len // _NW
    assert rows_per_w * _NW == seq_len
    sizes = _chunk_sizes(rows_per_w)
    offs = [sum(sizes[:k]) for k in range(len(sizes))]
    nchunk = len(sizes)
    chunk = max(sizes)

    mesh = plsc.VectorSubcoreMesh(core_axis_name="c", subcore_axis_name="s")

    @functools.partial(
        pl.kernel,
        mesh=mesh,
        out_type=jax.ShapeDtypeStruct((batch, seq_len, d_model), jnp.float32),
        scratch_types=[
            pltpu.VMEM((_NSLOT, chunk, d_model), jnp.float32),
            pltpu.SemaphoreType.DMA((_NSLOT,)),
            pltpu.SemaphoreType.DMA((_NSLOT, batch)),
        ],
    )
    def sc_broadcast(table_hbm, out_hbm, bufs, rsems, wsems):
        wid = lax.axis_index("s") * _NC + lax.axis_index("c")
        base = wid * rows_per_w
        nslot = min(_NSLOT, nchunk)

        def read(i, slot):
            return pltpu.make_async_copy(
                table_hbm.at[pl.ds(base + offs[i], sizes[i])],
                bufs.at[slot, pl.ds(0, sizes[i])],
                rsems.at[slot],
            )

        def write(i, slot, b):
            return pltpu.make_async_copy(
                bufs.at[slot, pl.ds(0, sizes[i])],
                out_hbm.at[b, pl.ds(base + offs[i], sizes[i])],
                wsems.at[slot, b],
            )

        ahead = max(1, nslot - 1)
        for j in range(min(ahead, nchunk)):
            read(j, j % nslot).start()
        for i in range(nchunk):
            slot = i % nslot
            read(i, slot).wait()
            nxt = i + ahead
            if nxt < nchunk:
                old = nxt - nslot
                if old >= 0:
                    for b in range(batch):
                        write(old, old % nslot, b).wait()
                read(nxt, nxt % nslot).start()
            for b in range(batch):
                write(i, slot, (b + i) % batch).start()
        for i in range(max(0, nchunk - nslot), nchunk):
            for b in range(batch):
                write(i, i % nslot, b).wait()

    return sc_broadcast


def kernel(inputs, pos_embedding):
    batch, seq_len = inputs.shape
    d_model = pos_embedding.shape[1]
    return _make_sc_broadcast(batch, seq_len, d_model)(pos_embedding)

# --- scband reference (transcript-rebuilt; emitter-appended) ---
"""Pipeline reference for scband-positional-encoding-11630771438158 (READ-ONLY COPY).

The authoritative reference and input builder live on the scoring server;
editing this copy changes nothing except your own understanding.
"""

import jax, jax.numpy as jnp
import numpy as np

D_MODEL = 1024
MAX_POS = 8192
BATCH = 4
SEQ_LEN = 4096

def setup_inputs(seed: int = 0) -> dict:
    key = jax.random.key(seed)
    k_inp, k_tab = jax.random.split(key)
    inputs = jax.random.randint(k_inp, (BATCH, SEQ_LEN), 0, 32000, dtype=jnp.int64 if jax.config.jax_enable_x64 else jnp.int32)
    pos_embedding = jax.random.normal(k_tab, (MAX_POS, D_MODEL), dtype=jnp.float32)
    return {"inputs": inputs, "pos_embedding": pos_embedding}

def reference(inputs, pos_embedding):
    seq_len = inputs.shape[1]
    pos = jnp.arange(seq_len, dtype=inputs.dtype)
    pos = jnp.broadcast_to(pos[None, :], inputs.shape)
    return jnp.take(pos_embedding, pos, axis=0)

if __name__ == "__main__":
    import jax
    _d = setup_inputs()
    print(jax.jit(kernel)(*tuple(_d.values())))

</pallas_src>

<mosaic_0001>
#map = affine_map<(d0, d1) -> (0, 0)>
#map1 = affine_map<(d0, d1) -> (0, 0, 0)>
module attributes {stable_mosaic.version = 14 : i64} {
  func.func @sc_broadcast(%arg0: i32, %arg1: i32, %arg2: memref<8192x1024xf32, #tpu.memory_space<hbm>>, %arg3: memref<4x4096x1024xf32, #tpu.memory_space<hbm>>, %arg4: memref<2x48x1024xf32, #tpu.memory_space<vmem>>, %arg5: memref<2x!tpu.dma_semaphore, #tpu.memory_space<semaphore_mem>>, %arg6: memref<2x4x!tpu.dma_semaphore, #tpu.memory_space<semaphore_mem>>) attributes {dimension_semantics = [#tpu.dimension_semantics<core_parallel>, #tpu.dimension_semantics<subcore_parallel>], iteration_bounds = array<i64: 2, 16>, scalar_prefetch = 0 : i64, scratch_operands = 3 : i64, tpu.core_type = #tpu.core_type<sc_vector_subcore>, window_params = [{transform_indices = #map}, {transform_indices = #map1}]} {
    %mul3A = arith.constant 2 : i32
    %mul3A_0 = arith.muli %arg1, %mul3A : i32
    %add3A = arith.addi %mul3A_0, %arg0 : i32
    %mul3A_1 = arith.constant 128 : i32
    %mul3A_2 = arith.muli %add3A, %mul3A_1 : i32
    %add3A_3 = arith.constant 0 : i32
    %add3A_4 = arith.addi %mul3A_2, %add3A_3 : i32
    %dma_start3A = arith.constant 0 : i32
    %dma_start3A_5 = arith.constant 0 : i32
    %dma_start3A_6 = arith.constant 0 : i32
    %dma_start3A_7 = arith.constant 0 : i32
    %dma_start3A_8 = tpu.memref_slice %arg4[%dma_start3A, %dma_start3A_6, %dma_start3A_7] : memref<2x48x1024xf32, #tpu.memory_space<vmem>> -> memref<1x48x1024xf32, #tpu.memory_space<vmem>>
    %dma_start3A_9 = tpu.memref_squeeze %dma_start3A_8 : memref<1x48x1024xf32, #tpu.memory_space<vmem>> -> memref<48x1024xf32, #tpu.memory_space<vmem>>
    %dma_start3A_10 = arith.constant 0 : i32
    %dma_start3A_11 = tpu.memref_slice %arg2[%add3A_4, %dma_start3A_10] : memref<8192x1024xf32, #tpu.memory_space<hbm>> -> memref<48x1024xf32, #tpu.memory_space<hbm>>
    %dma_start3A_12 = tpu.memref_slice %arg5[%dma_start3A_5] : memref<2x!tpu.dma_semaphore, #tpu.memory_space<semaphore_mem>> -> memref<1x!tpu.dma_semaphore, #tpu.memory_space<semaphore_mem>>
    %dma_start3A_13 = tpu.memref_squeeze %dma_start3A_12 : memref<1x!tpu.dma_semaphore, #tpu.memory_space<semaphore_mem>> -> memref<!tpu.dma_semaphore, #tpu.memory_space<semaphore_mem>>
    %dma_start3A_14 = arith.constant 0 : i32
    %dma_start3A_15 = arith.constant 0 : i32
    %dma_start3A_16 = tpu.memref_slice %arg4[%dma_start3A, %dma_start3A_14, %dma_start3A_15] : memref<2x48x1024xf32, #tpu.memory_space<vmem>> -> memref<1x48x1024xf32, #tpu.memory_space<vmem>>
    %dma_start3A_17 = tpu.memref_squeeze %dma_start3A_16 : memref<1x48x1024xf32, #tpu.memory_space<vmem>> -> memref<48x1024xf32, #tpu.memory_space<vmem>>
    %dma_start3A_18 = arith.constant 0 : i32
    %dma_start3A_19 = tpu.memref_slice %arg2[%add3A_4, %dma_start3A_18] : memref<8192x1024xf32, #tpu.memory_space<hbm>> -> memref<48x1024xf32, #tpu.memory_space<hbm>>
    tpu.enqueue_dma source(%dma_start3A_19 : memref<48x1024xf32, #tpu.memory_space<hbm>>) target(%dma_start3A_17 : memref<48x1024xf32, #tpu.memory_space<vmem>>) target_semaphore(%dma_start3A_13 : memref<!tpu.dma_semaphore, #tpu.memory_space<semaphore_mem>>)
    %add3A_20 = arith.constant 0 : i32
    %add3A_21 = arith.addi %mul3A_2, %add3A_20 : i32
    %dma_wait3A = arith.constant 0 : i32
    %dma_wait3A_22 = arith.constant 0 : i32
    %dma_wait3A_23 = arith.constant 0 : i32
    %dma_wait3A_24 = arith.constant 0 : i32
    %dma_wait3A_25 = tpu.memref_slice %arg4[%dma_wait3A, %dma_wait3A_23, %dma_wait3A_24] : memref<2x48x1024xf32, #tpu.memory_space<vmem>> -> memref<1x48x1024xf32, #tpu.memory_space<vmem>>
    %dma_wait3A_26 = tpu.memref_squeeze %dma_wait3A_25 : memref<1x48x1024xf32, #tpu.memory_space<vmem>> -> memref<48x1024xf32, #tpu.memory_space<vmem>>
    %dma_wait3A_27 = arith.constant 0 : i32
    %dma_wait3A_28 = tpu.memref_slice %arg2[%add3A_21, %dma_wait3A_27] : memref<8192x1024xf32, #tpu.memory_space<hbm>> -> memref<48x1024xf32, #tpu.memory_space<hbm>>
    %dma_wait3A_29 = tpu.memref_slice %arg5[%dma_wait3A_22] : memref<2x!tpu.dma_semaphore, #tpu.memory_space<semaphore_mem>> -> memref<1x!tpu.dma_semaphore, #tpu.memory_space<semaphore_mem>>
    %dma_wait3A_30 = tpu.memref_squeeze %dma_wait3A_29 : memref<1x!tpu.dma_semaphore, #tpu.memory_space<semaphore_mem>> -> memref<!tpu.dma_semaphore, #tpu.memory_space<semaphore_mem>>
    %dma_wait3A_31 = arith.constant 0 : i32
    %dma_wait3A_32 = arith.constant 0 : i32
    %dma_wait3A_33 = tpu.memref_slice %arg4[%dma_wait3A, %dma_wait3A_31, %dma_wait3A_32] : memref<2x48x1024xf32, #tpu.memory_space<vmem>> -> memref<1x48x1024xf32, #tpu.memory_space<vmem>>
    %dma_wait3A_34 = tpu.memref_squeeze %dma_wait3A_33 : memref<1x48x1024xf32, #tpu.memory_space<vmem>> -> memref<48x1024xf32, #tpu.memory_space<vmem>>
    %dma_wait3A_35 = arith.constant 0 : i32
    %dma_wait3A_36 = tpu.memref_slice %arg2[%add3A_21, %dma_wait3A_35] : memref<8192x1024xf32, #tpu.memory_space<hbm>> -> memref<48x1024xf32, #tpu.memory_space<hbm>>
    tpu.wait_dma2 semaphore(%dma_wait3A_30 : memref<!tpu.dma_semaphore, #tpu.memory_space<semaphore_mem>>) src(%dma_wait3A_36 : memref<48x1024xf32, #tpu.memory_space<hbm>>) dst(%dma_wait3A_34 : memref<48x1024xf32, #tpu.memory_space<vmem>>)
    %add3A_37 = arith.constant 48 : i32
    %add3A_38 = arith.addi %mul3A_2, %add3A_37 : i32
    %dma_start3A_39 = arith.constant 1 : i32
    %dma_start3A_40 = arith.constant 1 : i32
    %dma_start3A_41 = arith.constant 0 : i32
    %dma_start3A_42 = arith.constant 0 : i32
    %dma_start3A_43 = tpu.memref_slice %arg4[%dma_start3A_39, %dma_start3A_41, %dma_start3A_42] : memref<2x48x1024xf32, #tpu.memory_space<vmem>> -> memref<1x48x1024xf32, #tpu.memory_space<vmem>>
    %dma_start3A_44 = tpu.memref_squeeze %dma_start3A_43 : memref<1x48x1024xf32, #tpu.memory_space<vmem>> -> memref<48x1024xf32, #tpu.memory_space<vmem>>
    %dma_start3A_45 = arith.constant 0 : i32
    %dma_start3A_46 = tpu.memref_slice %arg2[%add3A_38, %dma_start3A_45] : memref<8192x1024xf32, #tpu.memory_space<hbm>> -> memref<48x1024xf32, #tpu.memory_space<hbm>>
    %dma_start3A_47 = tpu.memref_slice %arg5[%dma_start3A_40] : memref<2x!tpu.dma_semaphore, #tpu.memory_space<semaphore_mem>> -> memref<1x!tpu.dma_semaphore, #tpu.memory_space<semaphore_mem>>
    %dma_start3A_48 = tpu.memref_squeeze %dma_start3A_47 : memref<1x!tpu.dma_semaphore, #tpu.memory_space<semaphore_mem>> -> memref<!tpu.dma_semaphore, #tpu.memory_space<semaphore_mem>>
    %dma_start3A_49 = arith.constant 0 : i32
    %dma_start3A_50 = arith.constant 0 : i32
    %dma_start3A_51 = tpu.memref_slice %arg4[%dma_start3A_39, %dma_start3A_49, %dma_start3A_50] : memref<2x48x1024xf32, #tpu.memory_space<vmem>> -> memref<1x48x1024xf32, #tpu.memory_space<vmem>>
    %dma_start3A_52 = tpu.memref_squeeze %dma_start3A_51 : memref<1x48x1024xf32, #tpu.memory_space<vmem>> -> memref<48x1024xf32, #tpu.memory_space<vmem>>
    %dma_start3A_53 = arith.constant 0 : i32
    %dma_start3A_54 = tpu.memref_slice %arg2[%add3A_38, %dma_start3A_53] : memref<8192x1024xf32, #tpu.memory_space<hbm>> -> memref<48x1024xf32, #tpu.memory_space<hbm>>
    tpu.enqueue_dma source(%dma_start3A_54 : memref<48x1024xf32, #tpu.memory_space<hbm>>) target(%dma_start3A_52 : memref<48x1024xf32, #tpu.memory_space<vmem>>) target_semaphore(%dma_start3A_48 : memref<!tpu.dma_semaphore, #tpu.memory_space<semaphore_mem>>)
    %add3A_55 = arith.constant 0 : i32
    %add3A_56 = arith.addi %mul3A_2, %add3A_55 : i32
    %dma_start3A_57 = arith.constant 0 : i32
    %dma_start3A_58 = arith.constant 0 : i32
    %dma_start3A_59 = arith.constant 0 : i32
    %dma_start3A_60 = arith.constant 0 : i32
    %dma_start3A_61 = arith.constant 0 : i32
    %dma_start3A_62 = arith.constant 0 : i32
    %dma_start3A_63 = tpu.memref_slice %arg4[%dma_start3A_57, %dma_start3A_61, %dma_start3A_62] : memref<2x48x1024xf32, #tpu.memory_space<vmem>> -> memref<1x48x1024xf32, #tpu.memory_space<vmem>>
    %dma_start3A_64 = tpu.memref_squeeze %dma_start3A_63 : memref<1x48x1024xf32, #tpu.memory_space<vmem>> -> memref<48x1024xf32, #tpu.memory_space<vmem>>
    %dma_start3A_65 = arith.constant 0 : i32
    %dma_start3A_66 = tpu.memref_slice %arg3[%dma_start3A_58, %add3A_56, %dma_start3A_65] : memref<4x4096x1024xf32, #tpu.memory_space<hbm>> -> memref<1x48x1024xf32, #tpu.memory_space<hbm>>
    %dma_start3A_67 = tpu.memref_squeeze %dma_start3A_66 : memref<1x48x1024xf32, #tpu.memory_space<hbm>> -> memref<48x1024xf32, #tpu.memory_space<hbm>>
    %dma_start3A_68 = tpu.memref_slice %arg6[%dma_start3A_59, %dma_start3A_60] : memref<2x4x!tpu.dma_semaphore, #tpu.memory_space<semaphore_mem>> -> memref<1x1x!tpu.dma_semaphore, #tpu.memory_space<semaphore_mem>>
    %dma_start3A_69 = tpu.memref_squeeze %dma_start3A_68 : memref<1x1x!tpu.dma_semaphore, #tpu.memory_space<semaphore_mem>> -> memref<!tpu.dma_semaphore, #tpu.memory_space<semaphore_mem>>
    %dma_start3A_70 = arith.constant 0 : i32
    %dma_start3A_71 = tpu.memref_slice %arg3[%dma_start3A_58, %add3A_56, %dma_start3A_70] : memref<4x4096x1024xf32, #tpu.memory_space<hbm>> -> memref<1x48x1024xf32, #tpu.memory_space<hbm>>
    %dma_start3A_72 = tpu.memref_squeeze %dma_start3A_71 : memref<1x48x1024xf32, #tpu.memory_space<hbm>> -> memref<48x1024xf32, #tpu.memory_space<hbm>>
    %dma_start3A_73 = arith.constant 0 : i32
    %dma_start3A_74 = arith.constant 0 : i32
    %dma_start3A_75 = tpu.memref_slice %arg4[%dma_start3A_57, %dma_start3A_73, %dma_start3A_74] : memref<2x48x1024xf32, #tpu.memory_space<vmem>> -> memref<1x48x1024xf32, #tpu.memory_space<vmem>>
    %dma_start3A_76 = tpu.memref_squeeze %dma_start3A_75 : memref<1x48x1024xf32, #tpu.memory_space<vmem>> -> memref<48x1024xf32, #tpu.memory_space<vmem>>
    tpu.enqueue_dma source(%dma_start3A_76 : memref<48x1024xf32, #tpu.memory_space<vmem>>) target(%dma_start3A_72 : memref<48x1024xf32, #tpu.memory_space<hbm>>) target_semaphore(%dma_start3A_69 : memref<!tpu.dma_semaphore, #tpu.memory_space<semaphore_mem>>)
    %add3A_77 = arith.constant 0 : i32
    %add3A_78 = arith.addi %mul3A_2, %add3A_77 : i32
    %dma_start3A_79 = arith.constant 0 : i32
    %dma_start3A_80 = arith.constant 1 : i32
    %dma_start3A_81 = arith.constant 0 : i32
    %dma_start3A_82 = arith.constant 1 : i32
    %dma_start3A_83 = arith.constant 0 : i32
    %dma_start3A_84 = arith.constant 0 : i32
    %dma_start3A_85 = tpu.memref_slice %arg4[%dma_start3A_79, %dma_start3A_83, %dma_start3A_84] : memref<2x48x1024xf32, #tpu.memory_space<vmem>> -> memref<1x48x1024xf32, #tpu.memory_space<vmem>>
    %dma_start3A_86 = tpu.memref_squeeze %dma_start3A_85 : memref<1x48x1024xf32, #tpu.memory_space<vmem>> -> memref<48x1024xf32, #tpu.memory_space<vmem>>
    %dma_start3A_87 = arith.constant 0 : i32
    %dma_start3A_88 = tpu.memref_slice %arg3[%dma_start3A_80, %add3A_78, %dma_start3A_87] : memref<4x4096x1024xf32, #tpu.memory_space<hbm>> -> memref<1x48x1024xf32, #tpu.memory_space<hbm>>
    %dma_start3A_89 = tpu.memref_squeeze %dma_start3A_88 : memref<1x48x1024xf32, #tpu.memory_space<hbm>> -> memref<48x1024xf32, #tpu.memory_space<hbm>>
    %dma_start3A_90 = tpu.memref_slice %arg6[%dma_start3A_81, %dma_start3A_82] : memref<2x4x!tpu.dma_semaphore, #tpu.memory_space<semaphore_mem>> -> memref<1x1x!tpu.dma_semaphore, #tpu.memory_space<semaphore_mem>>
    %dma_start3A_91 = tpu.memref_squeeze %dma_start3A_90 : memref<1x1x!tpu.dma_semaphore, #tpu.memory_space<semaphore_mem>> -> memref<!tpu.dma_semaphore, #tpu.memory_space<semaphore_mem>>
    %dma_start3A_92 = arith.constant 0 : i32
    %dma_start3A_93 = tpu.memref_slice %arg3[%dma_start3A_80, %add3A_78, %dma_start3A_92] : memref<4x4096x1024xf32, #tpu.memory_space<hbm>> -> memref<1x48x1024xf32, #tpu.memory_space<hbm>>
    %dma_start3A_94 = tpu.memref_squeeze %dma_start3A_93 : memref<1x48x1024xf32, #tpu.memory_space<hbm>> -> memref<48x1024xf32, #tpu.memory_space<hbm>>
    %dma_start3A_95 = arith.constant 0 : i32
    %dma_start3A_96 = arith.constant 0 : i32
    %dma_start3A_97 = tpu.memref_slice %arg4[%dma_start3A_79, %dma_start3A_95, %dma_start3A_96] : memref<2x48x1024xf32, #tpu.memory_space<vmem>> -> memref<1x48x1024xf32, #tpu.memory_space<vmem>>
    %dma_start3A_98 = tpu.memref_squeeze %dma_start3A_97 : memref<1x48x1024xf32, #tpu.memory_space<vmem>> -> memref<48x1024xf32, #tpu.memory_space<vmem>>
    tpu.enqueue_dma source(%dma_start3A_98 : memref<48x1024xf32, #tpu.memory_space<vmem>>) target(%dma_start3A_94 : memref<48x1024xf32, #tpu.memory_space<hbm>>) target_semaphore(%dma_start3A_91 : memref<!tpu.dma_semaphore, #tpu.memory_space<semaphore_mem>>)
    %add3A_99 = arith.constant 0 : i32
    %add3A_100 = arith.addi %mul3A_2, %add3A_99 : i32
    %dma_start3A_101 = arith.constant 0 : i32
    %dma_start3A_102 = arith.constant 2 : i32
    %dma_start3A_103 = arith.constant 0 : i32
    %dma_start3A_104 = arith.constant 2 : i32
    %dma_start3A_105 = arith.constant 0 : i32
    %dma_start3A_106 = arith.constant 0 : i32
    %dma_start3A_107 = tpu.memref_slice %arg4[%dma_start3A_101, %dma_start3A_105, %dma_start3A_106] : memref<2x48x1024xf32, #tpu.memory_space<vmem>> -> memref<1x48x1024xf32, #tpu.memory_space<vmem>>
    %dma_start3A_108 = tpu.memref_squeeze %dma_start3A_107 : memref<1x48x1024xf32, #tpu.memory_space<vmem>> -> memref<48x1024xf32, #tpu.memory_space<vmem>>
    %dma_start3A_109 = arith.constant 0 : i32
    %dma_start3A_110 = tpu.memref_slice %arg3[%dma_start3A_102, %add3A_100, %dma_start3A_109] : memref<4x4096x1024xf32, #tpu.memory_space<hbm>> -> memref<1x48x1024xf32, #tpu.memory_space<hbm>>
    %dma_start3A_111 = tpu.memref_squeeze %dma_start3A_110 : memref<1x48x1024xf32, #tpu.memory_space<hbm>> -> memref<48x1024xf32, #tpu.memory_space<hbm>>
    %dma_start3A_112 = tpu.memref_slice %arg6[%dma_start3A_103, %dma_start3A_104] : memref<2x4x!tpu.dma_semaphore, #tpu.memory_space<semaphore_mem>> -> memref<1x1x!tpu.dma_semaphore, #tpu.memory_space<semaphore_mem>>
    %dma_start3A_113 = tpu.memref_squeeze %dma_start3A_112 : memref<1x1x!tpu.dma_semaphore, #tpu.memory_space<semaphore_mem>> -> memref<!tpu.dma_semaphore, #tpu.memory_space<semaphore_mem>>
    %dma_start3A_114 = arith.constant 0 : i32
    %dma_start3A_115 = tpu.memref_slice %arg3[%dma_start3A_102, %add3A_100, %dma_start3A_114] : memref<4x4096x1024xf32, #tpu.memory_space<hbm>> -> memref<1x48x1024xf32, #tpu.memory_space<hbm>>
    %dma_start3A_116 = tpu.memref_squeeze %dma_start3A_115 : memref<1x48x1024xf32, #tpu.memory_space<hbm>> -> memref<48x1024xf32, #tpu.memory_space<hbm>>
    %dma_start3A_117 = arith.constant 0 : i32
    %dma_start3A_118 = arith.constant 0 : i32
    %dma_start3A_119 = tpu.memref_slice %arg4[%dma_start3A_101, %dma_start3A_117, %dma_start3A_118] : memref<2x48x1024xf32, #tpu.memory_space<vmem>> -> memref<1x48x1024xf32, #tpu.memory_space<vmem>>
    %dma_start3A_120 = tpu.memref_squeeze %dma_start3A_119 : memref<1x48x1024xf32, #tpu.memory_space<vmem>> -> memref<48x1024xf32, #tpu.memory_space<vmem>>
    tpu.enqueue_dma source(%dma_start3A_120 : memref<48x1024xf32, #tpu.memory_space<vmem>>) target(%dma_start3A_116 : memref<48x1024xf32, #tpu.memory_space<hbm>>) target_semaphore(%dma_start3A_113 : memref<!tpu.dma_semaphore, #tpu.memory_space<semaphore_mem>>)
    %add3A_121 = arith.constant 0 : i32
    %add3A_122 = arith.addi %mul3A_2, %add3A_121 : i32
    %dma_start3A_123 = arith.constant 0 : i32
    %dma_start3A_124 = arith.constant 3 : i32
    %dma_start3A_125 = arith.constant 0 : i32
    %dma_start3A_126 = arith.constant 3 : i32
    %dma_start3A_127 = arith.constant 0 : i32
    %dma_start3A_128 = arith.constant 0 : i32
    %dma_start3A_129 = tpu.memref_slice %arg4[%dma_start3A_123, %dma_start3A_127, %dma_start3A_128] : memref<2x48x1024xf32, #tpu.memory_space<vmem>> -> memref<1x48x1024xf32, #tpu.memory_space<vmem>>
    %dma_start3A_130 = tpu.memref_squeeze %dma_start3A_129 : memref<1x48x1024xf32, #tpu.memory_space<vmem>> -> memref<48x1024xf32, #tpu.memory_space<vmem>>
    %dma_start3A_131 = arith.constant 0 : i32
    %dma_start3A_132 = tpu.memref_slice %arg3[%dma_start3A_124, %add3A_122, %dma_start3A_131] : memref<4x4096x1024xf32, #tpu.memory_space<hbm>> -> memref<1x48x1024xf32, #tpu.memory_space<hbm>>
    %dma_start3A_133 = tpu.memref_squeeze %dma_start3A_132 : memref<1x48x1024xf32, #tpu.memory_space<hbm>> -> memref<48x1024xf32, #tpu.memory_space<hbm>>
    %dma_start3A_134 = tpu.memref_slice %arg6[%dma_start3A_125, %dma_start3A_126] : memref<2x4x!tpu.dma_semaphore, #tpu.memory_space<semaphore_mem>> -> memref<1x1x!tpu.dma_semaphore, #tpu.memory_space<semaphore_mem>>
    %dma_start3A_135 = tpu.memref_squeeze %dma_start3A_134 : memref<1x1x!tpu.dma_semaphore, #tpu.memory_space<semaphore_mem>> -> memref<!tpu.dma_semaphore, #tpu.memory_space<semaphore_mem>>
    %dma_start3A_136 = arith.constant 0 : i32
    %dma_start3A_137 = tpu.memref_slice %arg3[%dma_start3A_124, %add3A_122, %dma_start3A_136] : memref<4x4096x1024xf32, #tpu.memory_space<hbm>> -> memref<1x48x1024xf32, #tpu.memory_space<hbm>>
    %dma_start3A_138 = tpu.memref_squeeze %dma_start3A_137 : memref<1x48x1024xf32, #tpu.memory_space<hbm>> -> memref<48x1024xf32, #tpu.memory_space<hbm>>
    %dma_start3A_139 = arith.constant 0 : i32
    %dma_start3A_140 = arith.constant 0 : i32
    %dma_start3A_141 = tpu.memref_slice %arg4[%dma_start3A_123, %dma_start3A_139, %dma_start3A_140] : memref<2x48x1024xf32, #tpu.memory_space<vmem>> -> memref<1x48x1024xf32, #tpu.memory_space<vmem>>
    %dma_start3A_142 = tpu.memref_squeeze %dma_start3A_141 : memref<1x48x1024xf32, #tpu.memory_space<vmem>> -> memref<48x1024xf32, #tpu.memory_space<vmem>>
    tpu.enqueue_dma source(%dma_start3A_142 : memref<48x1024xf32, #tpu.memory_space<vmem>>) target(%dma_start3A_138 : memref<48x1024xf32, #tpu.memory_space<hbm>>) target_semaphore(%dma_start3A_135 : memref<!tpu.dma_semaphore, #tpu.memory_space<semaphore_mem>>)
    %add3A_143 = arith.constant 48 : i32
    %add3A_144 = arith.addi %mul3A_2, %add3A_143 : i32
    %dma_wait3A_145 = arith.constant 1 : i32
    %dma_wait3A_146 = arith.constant 1 : i32
    %dma_wait3A_147 = arith.constant 0 : i32
    %dma_wait3A_148 = arith.constant 0 : i32
    %dma_wait3A_149 = tpu.memref_slice %arg4[%dma_wait3A_145, %dma_wait3A_147, %dma_wait3A_148] : memref<2x48x1024xf32, #tpu.memory_space<vmem>> -> memref<1x48x1024xf32, #tpu.memory_space<vmem>>
    %dma_wait3A_150 = tpu.memref_squeeze %dma_wait3A_149 : memref<1x48x1024xf32, #tpu.memory_space<vmem>> -> memref<48x1024xf32, #tpu.memory_space<vmem>>
    %dma_wait3A_151 = arith.constant 0 : i32
    %dma_wait3A_152 = tpu.memref_slice %arg2[%add3A_144, %dma_wait3A_151] : memref<8192x1024xf32, #tpu.memory_space<hbm>> -> memref<48x1024xf32, #tpu.memory_space<hbm>>
    %dma_wait3A_153 = tpu.memref_slice %arg5[%dma_wait3A_146] : memref<2x!tpu.dma_semaphore, #tpu.memory_space<semaphore_mem>> -> memref<1x!tpu.dma_semaphore, #tpu.memory_space<semaphore_mem>>
    %dma_wait3A_154 = tpu.memref_squeeze %dma_wait3A_153 : memref<1x!tpu.dma_semaphore, #tpu.memory_space<semaphore_mem>> -> memref<!tpu.dma_semaphore, #tpu.memory_space<semaphore_mem>>
    %dma_wait3A_155 = arith.constant 0 : i32
    %dma_wait3A_156 = arith.constant 0 : i32
    %dma_wait3A_157 = tpu.memref_slice %arg4[%dma_wait3A_145, %dma_wait3A_155, %dma_wait3A_156] : memref<2x48x1024xf32, #tpu.memory_space<vmem>> -> memref<1x48x1024xf32, #tpu.memory_space<vmem>>
    %dma_wait3A_158 = tpu.memref_squeeze %dma_wait3A_157 : memref<1x48x1024xf32, #tpu.memory_space<vmem>> -> memref<48x1024xf32, #tpu.memory_space<vmem>>
    %dma_wait3A_159 = arith.constant 0 : i32
    %dma_wait3A_160 = tpu.memref_slice %arg2[%add3A_144, %dma_wait3A_159] : memref<8192x1024xf32, #tpu.memory_space<hbm>> -> memref<48x1024xf32, #tpu.memory_space<hbm>>
    tpu.wait_dma2 semaphore(%dma_wait3A_154 : memref<!tpu.dma_semaphore, #tpu.memory_space<semaphore_mem>>) src(%dma_wait3A_160 : memref<48x1024xf32, #tpu.memory_space<hbm>>) dst(%dma_wait3A_158 : memref<48x1024xf32, #tpu.memory_space<vmem>>)
    %add3A_161 = arith.constant 0 : i32
    %add3A_162 = arith.addi %mul3A_2, %add3A_161 : i32
    %dma_wait3A_163 = arith.constant 0 : i32
    %dma_wait3A_164 = arith.constant 0 : i32
    %dma_wait3A_165 = arith.constant 0 : i32
    %dma_wait3A_166 = arith.constant 0 : i32
    %dma_wait3A_167 = arith.constant 0 : i32
    %dma_wait3A_168 = arith.constant 0 : i32
    %dma_wait3A_169 = tpu.memref_slice %arg4[%dma_wait3A_163, %dma_wait3A_167, %dma_wait3A_168] : memref<2x48x1024xf32, #tpu.memory_space<vmem>> -> memref<1x48x1024xf32, #tpu.memory_space<vmem>>
    %dma_wait3A_170 = tpu.memref_squeeze %dma_wait3A_169 : memref<1x48x1024xf32, #tpu.memory_space<vmem>> -> memref<48x1024xf32, #tpu.memory_space<vmem>>
    %dma_wait3A_171 = arith.constant 0 : i32
    %dma_wait3A_172 = tpu.memref_slice %arg3[%dma_wait3A_164, %add3A_162, %dma_wait3A_171] : memref<4x4096x1024xf32, #tpu.memory_space<hbm>> -> memref<1x48x1024xf32, #tpu.memory_space<hbm>>
    %dma_wait3A_173 = tpu.memref_squeeze %dma_wait3A_172 : memref<1x48x1024xf32, #tpu.memory_space<hbm>> -> memref<48x1024xf32, #tpu.memory_space<hbm>>
    %dma_wait3A_174 = tpu.memref_slice %arg6[%dma_wait3A_165, %dma_wait3A_166] : memref<2x4x!tpu.dma_semaphore, #tpu.memory_space<semaphore_mem>> -> memref<1x1x!tpu.dma_semaphore, #tpu.memory_space<semaphore_mem>>
    %dma_wait3A_175 = tpu.memref_squeeze %dma_wait3A_174 : memref<1x1x!tpu.dma_semaphore, #tpu.memory_space<semaphore_mem>> -> memref<!tpu.dma_semaphore, #tpu.memory_space<semaphore_mem>>
    %dma_wait3A_176 = arith.constant 0 : i32
    %dma_wait3A_177 = tpu.memref_slice %arg3[%dma_wait3A_164, %add3A_162, %dma_wait3A_176] : memref<4x4096x1024xf32, #tpu.memory_space<hbm>> -> memref<1x48x1024xf32, #tpu.memory_space<hbm>>
    %dma_wait3A_178 = tpu.memref_squeeze %dma_wait3A_177 : memref<1x48x1024xf32, #tpu.memory_space<hbm>> -> memref<48x1024xf32, #tpu.memory_space<hbm>>
    %dma_wait3A_179 = arith.constant 0 : i32
    %dma_wait3A_180 = arith.constant 0 : i32
    %dma_wait3A_181 = tpu.memref_slice %arg4[%dma_wait3A_163, %dma_wait3A_179, %dma_wait3A_180] : memref<2x48x1024xf32, #tpu.memory_space<vmem>> -> memref<1x48x1024xf32, #tpu.memory_space<vmem>>
    %dma_wait3A_182 = tpu.memref_squeeze %dma_wait3A_181 : memref<1x48x1024xf32, #tpu.memory_space<vmem>> -> memref<48x1024xf32, #tpu.memory_space<vmem>>
    tpu.wait_dma2 semaphore(%dma_wait3A_175 : memref<!tpu.dma_semaphore, #tpu.memory_space<semaphore_mem>>) src(%dma_wait3A_182 : memref<48x1024xf32, #tpu.memory_space<vmem>>) dst(%dma_wait3A_178 : memref<48x1024xf32, #tpu.memory_space<hbm>>)
    %add3A_183 = arith.constant 0 : i32
    %add3A_184 = arith.addi %mul3A_2, %add3A_183 : i32
    %dma_wait3A_185 = arith.constant 0 : i32
    %dma_wait3A_186 = arith.constant 1 : i32
    %dma_wait3A_187 = arith.constant 0 : i32
    %dma_wait3A_188 = arith.constant 1 : i32
    %dma_wait3A_189 = arith.constant 0 : i32
    %dma_wait3A_190 = arith.constant 0 : i32
    %dma_wait3A_191 = tpu.memref_slice %arg4[%dma_wait3A_185, %dma_wait3A_189, %dma_wait3A_190] : memref<2x48x1024xf32, #tpu.memory_space<vmem>> -> memref<1x48x1024xf32, #tpu.memory_space<vmem>>
    %dma_wait3A_192 = tpu.memref_squeeze %dma_wait3A_191 : memref<1x48x1024xf32, #tpu.memory_space<vmem>> -> memref<48x1024xf32, #tpu.memory_space<vmem>>
    %dma_wait3A_193 = arith.constant 0 : i32
    %dma_wait3A_194 = tpu.memref_slice %arg3[%dma_wait3A_186, %add3A_184, %dma_wait3A_193] : memref<4x4096x1024xf32, #tpu.memory_space<hbm>> -> memref<1x48x1024xf32, #tpu.memory_space<hbm>>
    %dma_wait3A_195 = tpu.memref_squeeze %dma_wait3A_194 : memref<1x48x1024xf32, #tpu.memory_space<hbm>> -> memref<48x1024xf32, #tpu.memory_space<hbm>>
    %dma_wait3A_196 = tpu.memref_slice %arg6[%dma_wait3A_187, %dma_wait3A_188] : memref<2x4x!tpu.dma_semaphore, #tpu.memory_space<semaphore_mem>> -> memref<1x1x!tpu.dma_semaphore, #tpu.memory_space<semaphore_mem>>
    %dma_wait3A_197 = tpu.memref_squeeze %dma_wait3A_196 : memref<1x1x!tpu.dma_semaphore, #tpu.memory_space<semaphore_mem>> -> memref<!tpu.dma_semaphore, #tpu.memory_space<semaphore_mem>>
    %dma_wait3A_198 = arith.constant 0 : i32
    %dma_wait3A_199 = tpu.memref_slice %arg3[%dma_wait3A_186, %add3A_184, %dma_wait3A_198] : memref<4x4096x1024xf32, #tpu.memory_space<hbm>> -> memref<1x48x1024xf32, #tpu.memory_space<hbm>>
    %dma_wait3A_200 = tpu.memref_squeeze %dma_wait3A_199 : memref<1x48x1024xf32, #tpu.memory_space<hbm>> -> memref<48x1024xf32, #tpu.memory_space<hbm>>
    %dma_wait3A_201 = arith.constant 0 : i32
    %dma_wait3A_202 = arith.constant 0 : i32
    %dma_wait3A_203 = tpu.memref_slice %arg4[%dma_wait3A_185, %dma_wait3A_201, %dma_wait3A_202] : memref<2x48x1024xf32, #tpu.memory_space<vmem>> -> memref<1x48x1024xf32, #tpu.memory_space<vmem>>
    %dma_wait3A_204 = tpu.memref_squeeze %dma_wait3A_203 : memref<1x48x1024xf32, #tpu.memory_space<vmem>> -> memref<48x1024xf32, #tpu.memory_space<vmem>>
    tpu.wait_dma2 semaphore(%dma_wait3A_197 : memref<!tpu.dma_semaphore, #tpu.memory_space<semaphore_mem>>) src(%dma_wait3A_204 : memref<48x1024xf32, #tpu.memory_space<vmem>>) dst(%dma_wait3A_200 : memref<48x1024xf32, #tpu.memory_space<hbm>>)
    %add3A_205 = arith.constant 0 : i32
    %add3A_206 = arith.addi %mul3A_2, %add3A_205 : i32
    %dma_wait3A_207 = arith.constant 0 : i32
    %dma_wait3A_208 = arith.constant 2 : i32
    %dma_wait3A_209 = arith.constant 0 : i32
    %dma_wait3A_210 = arith.constant 2 : i32
    %dma_wait3A_211 = arith.constant 0 : i32
    %dma_wait3A_212 = arith.constant 0 : i32
    %dma_wait3A_213 = tpu.memref_slice %arg4[%dma_wait3A_207, %dma_wait3A_211, %dma_wait3A_212] : memref<2x48x1024xf32, #tpu.memory_space<vmem>> -> memref<1x48x1024xf32, #tpu.memory_space<vmem>>
    %dma_wait3A_214 = tpu.memref_squeeze %dma_wait3A_213 : memref<1x48x1024xf32, #tpu.memory_space<vmem>> -> memref<48x1024xf32, #tpu.memory_space<vmem>>
    %dma_wait3A_215 = arith.constant 0 : i32
    %dma_wait3A_216 = tpu.memref_slice %arg3[%dma_wait3A_208, %add3A_206, %dma_wait3A_215] : memref<4x4096x1024xf32, #tpu.memory_space<hbm>> -> memref<1x48x1024xf32, #tpu.memory_space<hbm>>
    %dma_wait3A_217 = tpu.memref_squeeze %dma_wait3A_216 : memref<1x48x1024xf32, #tpu.memory_space<hbm>> -> memref<48x1024xf32, #tpu.memory_space<hbm>>
    %dma_wait3A_218 = tpu.memref_slice %arg6[%dma_wait3A_209, %dma_wait3A_210] : memref<2x4x!tpu.dma_semaphore, #tpu.memory_space<semaphore_mem>> -> memref<1x1x!tpu.dma_semaphore, #tpu.memory_space<semaphore_mem>>
    %dma_wait3A_219 = tpu.memref_squeeze %dma_wait3A_218 : memref<1x1x!tpu.dma_semaphore, #tpu.memory_space<semaphore_mem>> -> memref<!tpu.dma_semaphore, #tpu.memory_space<semaphore_mem>>
    %dma_wait3A_220 = arith.constant 0 : i32
    %dma_wait3A_221 = tpu.memref_slice %arg3[%dma_wait3A_208, %add3A_206, %dma_wait3A_220] : memref<4x4096x1024xf32, #tpu.memory_space<hbm>> -> memref<1x48x1024xf32, #tpu.memory_space<hbm>>
    %dma_wait3A_222 = tpu.memref_squeeze %dma_wait3A_221 : memref<1x48x1024xf32, #tpu.memory_space<hbm>> -> memref<48x1024xf32, #tpu.memory_space<hbm>>
    %dma_wait3A_223 = arith.constant 0 : i32
    %dma_wait3A_224 = arith.constant 0 : i32
    %dma_wait3A_225 = tpu.memref_slice %arg4[%dma_wait3A_207, %dma_wait3A_223, %dma_wait3A_224] : memref<2x48x1024xf32, #tpu.memory_space<vmem>> -> memref<1x48x1024xf32, #tpu.memory_space<vmem>>
    %dma_wait3A_226 = tpu.memref_squeeze %dma_wait3A_225 : memref<1x48x1024xf32, #tpu.memory_space<vmem>> -> memref<48x1024xf32, #tpu.memory_space<vmem>>
    tpu.wait_dma2 semaphore(%dma_wait3A_219 : memref<!tpu.dma_semaphore, #tpu.memory_space<semaphore_mem>>) src(%dma_wait3A_226 : memref<48x1024xf32, #tpu.memory_space<vmem>>) dst(%dma_wait3A_222 : memref<48x1024xf32, #tpu.memory_space<hbm>>)
    %add3A_227 = arith.constant 0 : i32
    %add3A_228 = arith.addi %mul3A_2, %add3A_227 : i32
    %dma_wait3A_229 = arith.constant 0 : i32
    %dma_wait3A_230 = arith.constant 3 : i32
    %dma_wait3A_231 = arith.constant 0 : i32
    %dma_wait3A_232 = arith.constant 3 : i32
    %dma_wait3A_233 = arith.constant 0 : i32
    %dma_wait3A_234 = arith.constant 0 : i32
    %dma_wait3A_235 = tpu.memref_slice %arg4[%dma_wait3A_229, %dma_wait3A_233, %dma_wait3A_234] : memref<2x48x1024xf32, #tpu.memory_space<vmem>> -> memref<1x48x1024xf32, #tpu.memory_space<vmem>>
    %dma_wait3A_236 = tpu.memref_squeeze %dma_wait3A_235 : memref<1x48x1024xf32, #tpu.memory_space<vmem>> -> memref<48x1024xf32, #tpu.memory_space<vmem>>
    %dma_wait3A_237 = arith.constant 0 : i32
    %dma_wait3A_238 = tpu.memref_slice %arg3[%dma_wait3A_230, %add3A_228, %dma_wait3A_237] : memref<4x4096x1024xf32, #tpu.memory_space<hbm>> -> memref<1x48x1024xf32, #tpu.memory_space<hbm>>
    %dma_wait3A_239 = tpu.memref_squeeze %dma_wait3A_238 : memref<1x48x1024xf32, #tpu.memory_space<hbm>> -> memref<48x1024xf32, #tpu.memory_space<hbm>>
    %dma_wait3A_240 = tpu.memref_slice %arg6[%dma_wait3A_231, %dma_wait3A_232] : memref<2x4x!tpu.dma_semaphore, #tpu.memory_space<semaphore_mem>> -> memref<1x1x!tpu.dma_semaphore, #tpu.memory_space<semaphore_mem>>
    %dma_wait3A_241 = tpu.memref_squeeze %dma_wait3A_240 : memref<1x1x!tpu.dma_semaphore, #tpu.memory_space<semaphore_mem>> -> memref<!tpu.dma_semaphore, #tpu.memory_space<semaphore_mem>>
    %dma_wait3A_242 = arith.constant 0 : i32
    %dma_wait3A_243 = tpu.memref_slice %arg3[%dma_wait3A_230, %add3A_228, %dma_wait3A_242] : memref<4x4096x1024xf32, #tpu.memory_space<hbm>> -> memref<1x48x1024xf32, #tpu.memory_space<hbm>>
    %dma_wait3A_244 = tpu.memref_squeeze %dma_wait3A_243 : memref<1x48x1024xf32, #tpu.memory_space<hbm>> -> memref<48x1024xf32, #tpu.memory_space<hbm>>
    %dma_wait3A_245 = arith.constant 0 : i32
    %dma_wait3A_246 = arith.constant 0 : i32
    %dma_wait3A_247 = tpu.memref_slice %arg4[%dma_wait3A_229, %dma_wait3A_245, %dma_wait3A_246] : memref<2x48x1024xf32, #tpu.memory_space<vmem>> -> memref<1x48x1024xf32, #tpu.memory_space<vmem>>
    %dma_wait3A_248 = tpu.memref_squeeze %dma_wait3A_247 : memref<1x48x1024xf32, #tpu.memory_space<vmem>> -> memref<48x1024xf32, #tpu.memory_space<vmem>>
    tpu.wait_dma2 semaphore(%dma_wait3A_241 : memref<!tpu.dma_semaphore, #tpu.memory_space<semaphore_mem>>) src(%dma_wait3A_248 : memref<48x1024xf32, #tpu.memory_space<vmem>>) dst(%dma_wait3A_244 : memref<48x1024xf32, #tpu.memory_space<hbm>>)
    %add3A_249 = arith.constant 96 : i32
    %add3A_250 = arith.addi %mul3A_2, %add3A_249 : i32
    %dma_start3A_251 = arith.constant 0 : i32
    %dma_start3A_252 = arith.constant 0 : i32
    %dma_start3A_253 = arith.constant 0 : i32
    %dma_start3A_254 = arith.constant 0 : i32
    %dma_start3A_255 = tpu.memref_slice %arg4[%dma_start3A_251, %dma_start3A_253, %dma_start3A_254] : memref<2x48x1024xf32, #tpu.memory_space<vmem>> -> memref<1x32x1024xf32, #tpu.memory_space<vmem>>
    %dma_start3A_256 = tpu.memref_squeeze %dma_start3A_255 : memref<1x32x1024xf32, #tpu.memory_space<vmem>> -> memref<32x1024xf32, #tpu.memory_space<vmem>>
    %dma_start3A_257 = arith.constant 0 : i32
    %dma_start3A_258 = tpu.memref_slice %arg2[%add3A_250, %dma_start3A_257] : memref<8192x1024xf32, #tpu.memory_space<hbm>> -> memref<32x1024xf32, #tpu.memory_space<hbm>>
    %dma_start3A_259 = tpu.memref_slice %arg5[%dma_start3A_252] : memref<2x!tpu.dma_semaphore, #tpu.memory_space<semaphore_mem>> -> memref<1x!tpu.dma_semaphore, #tpu.memory_space<semaphore_mem>>
    %dma_start3A_260 = tpu.memref_squeeze %dma_start3A_259 : memref<1x!tpu.dma_semaphore, #tpu.memory_space<semaphore_mem>> -> memref<!tpu.dma_semaphore, #tpu.memory_space<semaphore_mem>>
    %dma_start3A_261 = arith.constant 0 : i32
    %dma_start3A_262 = arith.constant 0 : i32
    %dma_start3A_263 = tpu.memref_slice %arg4[%dma_start3A_251, %dma_start3A_261, %dma_start3A_262] : memref<2x48x1024xf32, #tpu.memory_space<vmem>> -> memref<1x32x1024xf32, #tpu.memory_space<vmem>>
    %dma_start3A_264 = tpu.memref_squeeze %dma_start3A_263 : memref<1x32x1024xf32, #tpu.memory_space<vmem>> -> memref<32x1024xf32, #tpu.memory_space<vmem>>
    %dma_start3A_265 = arith.constant 0 : i32
    %dma_start3A_266 = tpu.memref_slice %arg2[%add3A_250, %dma_start3A_265] : memref<8192x1024xf32, #tpu.memory_space<hbm>> -> memref<32x1024xf32, #tpu.memory_space<hbm>>
    tpu.enqueue_dma source(%dma_start3A_266 : memref<32x1024xf32, #tpu.memory_space<hbm>>) target(%dma_start3A_264 : memref<32x1024xf32, #tpu.memory_space<vmem>>) target_semaphore(%dma_start3A_260 : memref<!tpu.dma_semaphore, #tpu.memory_space<semaphore_mem>>)
    %add3A_267 = arith.constant 48 : i32
    %add3A_268 = arith.addi %mul3A_2, %add3A_267 : i32
    %dma_start3A_269 = arith.constant 1 : i32
    %dma_start3A_270 = arith.constant 1 : i32
    %dma_start3A_271 = arith.constant 1 : i32
    %dma_start3A_272 = arith.constant 1 : i32
    %dma_start3A_273 = arith.constant 0 : i32
    %dma_start3A_274 = arith.constant 0 : i32
    %dma_start3A_275 = tpu.memref_slice %arg4[%dma_start3A_269, %dma_start3A_273, %dma_start3A_274] : memref<2x48x1024xf32, #tpu.memory_space<vmem>> -> memref<1x48x1024xf32, #tpu.memory_space<vmem>>
    %dma_start3A_276 = tpu.memref_squeeze %dma_start3A_275 : memref<1x48x1024xf32, #tpu.memory_space<vmem>> -> memref<48x1024xf32, #tpu.memory_space<vmem>>
    %dma_start3A_277 = arith.constant 0 : i32
    %dma_start3A_278 = tpu.memref_slice %arg3[%dma_start3A_270, %add3A_268, %dma_start3A_277] : memref<4x4096x1024xf32, #tpu.memory_space<hbm>> -> memref<1x48x1024xf32, #tpu.memory_space<hbm>>
    %dma_start3A_279 = tpu.memref_squeeze %dma_start3A_278 : memref<1x48x1024xf32, #tpu.memory_space<hbm>> -> memref<48x1024xf32, #tpu.memory_space<hbm>>
    %dma_start3A_280 = tpu.memref_slice %arg6[%dma_start3A_271, %dma_start3A_272] : memref<2x4x!tpu.dma_semaphore, #tpu.memory_space<semaphore_mem>> -> memref<1x1x!tpu.dma_semaphore, #tpu.memory_space<semaphore_mem>>
    %dma_start3A_281 = tpu.memref_squeeze %dma_start3A_280 : memref<1x1x!tpu.dma_semaphore, #tpu.memory_space<semaphore_mem>> -> memref<!tpu.dma_semaphore, #tpu.memory_space<semaphore_mem>>
    %dma_start3A_282 = arith.constant 0 : i32
    %dma_start3A_283 = tpu.memref_slice %arg3[%dma_start3A_270, %add3A_268, %dma_start3A_282] : memref<4x4096x1024xf32, #tpu.memory_space<hbm>> -> memref<1x48x1024xf32, #tpu.memory_space<hbm>>
    %dma_start3A_284 = tpu.memref_squeeze %dma_start3A_283 : memref<1x48x1024xf32, #tpu.memory_space<hbm>> -> memref<48x1024xf32, #tpu.memory_space<hbm>>
    %dma_start3A_285 = arith.constant 0 : i32
    %dma_start3A_286 = arith.constant 0 : i32
    %dma_start3A_287 = tpu.memref_slice %arg4[%dma_start3A_269, %dma_start3A_285, %dma_start3A_286] : memref<2x48x1024xf32, #tpu.memory_space<vmem>> -> memref<1x48x1024xf32, #tpu.memory_space<vmem>>
    %dma_start3A_288 = tpu.memref_squeeze %dma_start3A_287 : memref<1x48x1024xf32, #tpu.memory_space<vmem>> -> memref<48x1024xf32, #tpu.memory_space<vmem>>
    tpu.enqueue_dma source(%dma_start3A_288 : memref<48x1024xf32, #tpu.memory_space<vmem>>) target(%dma_start3A_284 : memref<48x1024xf32, #tpu.memory_space<hbm>>) target_semaphore(%dma_start3A_281 : memref<!tpu.dma_semaphore, #tpu.memory_space<semaphore_mem>>)
    %add3A_289 = arith.constant 48 : i32
    %add3A_290 = arith.addi %mul3A_2, %add3A_289 : i32
    %dma_start3A_291 = arith.constant 1 : i32
    %dma_start3A_292 = arith.constant 2 : i32
    %dma_start3A_293 = arith.constant 1 : i32
    %dma_start3A_294 = arith.constant 2 : i32
    %dma_start3A_295 = arith.constant 0 : i32
    %dma_start3A_296 = arith.constant 0 : i32
    %dma_start3A_297 = tpu.memref_slice %arg4[%dma_start3A_291, %dma_start3A_295, %dma_start3A_296] : memref<2x48x1024xf32, #tpu.memory_space<vmem>> -> memref<1x48x1024xf32, #tpu.memory_space<vmem>>
    %dma_start3A_298 = tpu.memref_squeeze %dma_start3A_297 : memref<1x48x1024xf32, #tpu.memory_space<vmem>> -> memref<48x1024xf32, #tpu.memory_space<vmem>>
    %dma_start3A_299 = arith.constant 0 : i32
    %dma_start3A_300 = tpu.memref_slice %arg3[%dma_start3A_292, %add3A_290, %dma_start3A_299] : memref<4x4096x1024xf32, #tpu.memory_space<hbm>> -> memref<1x48x1024xf32, #tpu.memory_space<hbm>>
    %dma_start3A_301 = tpu.memref_squeeze %dma_start3A_300 : memref<1x48x1024xf32, #tpu.memory_space<hbm>> -> memref<48x1024xf32, #tpu.memory_space<hbm>>
    %dma_start3A_302 = tpu.memref_slice %arg6[%dma_start3A_293, %dma_start3A_294] : memref<2x4x!tpu.dma_semaphore, #tpu.memory_space<semaphore_mem>> -> memref<1x1x!tpu.dma_semaphore, #tpu.memory_space<semaphore_mem>>
    %dma_start3A_303 = tpu.memref_squeeze %dma_start3A_302 : memref<1x1x!tpu.dma_semaphore, #tpu.memory_space<semaphore_mem>> -> memref<!tpu.dma_semaphore, #tpu.memory_space<semaphore_mem>>
    %dma_start3A_304 = arith.constant 0 : i32
    %dma_start3A_305 = tpu.memref_slice %arg3[%dma_start3A_292, %add3A_290, %dma_start3A_304] : memref<4x4096x1024xf32, #tpu.memory_space<hbm>> -> memref<1x48x1024xf32, #tpu.memory_space<hbm>>
    %dma_start3A_306 = tpu.memref_squeeze %dma_start3A_305 : memref<1x48x1024xf32, #tpu.memory_space<hbm>> -> memref<48x1024xf32, #tpu.memory_space<hbm>>
    %dma_start3A_307 = arith.constant 0 : i32
    %dma_start3A_308 = arith.constant 0 : i32
    %dma_start3A_309 = tpu.memref_slice %arg4[%dma_start3A_291, %dma_start3A_307, %dma_start3A_308] : memref<2x48x1024xf32, #tpu.memory_space<vmem>> -> memref<1x48x1024xf32, #tpu.memory_space<vmem>>
    %dma_start3A_310 = tpu.memref_squeeze %dma_start3A_309 : memref<1x48x1024xf32, #tpu.memory_space<vmem>> -> memref<48x1024xf32, #tpu.memory_space<vmem>>
    tpu.enqueue_dma source(%dma_start3A_310 : memref<48x1024xf32, #tpu.memory_space<vmem>>) target(%dma_start3A_306 : memref<48x1024xf32, #tpu.memory_space<hbm>>) target_semaphore(%dma_start3A_303 : memref<!tpu.dma_semaphore, #tpu.memory_space<semaphore_mem>>)
    %add3A_311 = arith.constant 48 : i32
    %add3A_312 = arith.addi %mul3A_2, %add3A_311 : i32
    %dma_start3A_313 = arith.constant 1 : i32
    %dma_start3A_314 = arith.constant 3 : i32
    %dma_start3A_315 = arith.constant 1 : i32
    %dma_start3A_316 = arith.constant 3 : i32
    %dma_start3A_317 = arith.constant 0 : i32
    %dma_start3A_318 = arith.constant 0 : i32
    %dma_start3A_319 = tpu.memref_slice %arg4[%dma_start3A_313, %dma_start3A_317, %dma_start3A_318] : memref<2x48x1024xf32, #tpu.memory_space<vmem>> -> memref<1x48x1024xf32, #tpu.memory_space<vmem>>
    %dma_start3A_320 = tpu.memref_squeeze %dma_start3A_319 : memref<1x48x1024xf32, #tpu.memory_space<vmem>> -> memref<48x1024xf32, #tpu.memory_space<vmem>>
    %dma_start3A_321 = arith.constant 0 : i32
    %dma_start3A_322 = tpu.memref_slice %arg3[%dma_start3A_314, %add3A_312, %dma_start3A_321] : memref<4x4096x1024xf32, #tpu.memory_space<hbm>> -> memref<1x48x1024xf32, #tpu.memory_space<hbm>>
    %dma_start3A_323 = tpu.memref_squeeze %dma_start3A_322 : memref<1x48x1024xf32, #tpu.memory_space<hbm>> -> memref<48x1024xf32, #tpu.memory_space<hbm>>
    %dma_start3A_324 = tpu.memref_slice %arg6[%dma_start3A_315, %dma_start3A_316] : memref<2x4x!tpu.dma_semaphore, #tpu.memory_space<semaphore_mem>> -> memref<1x1x!tpu.dma_semaphore, #tpu.memory_space<semaphore_mem>>
    %dma_start3A_325 = tpu.memref_squeeze %dma_start3A_324 : memref<1x1x!tpu.dma_semaphore, #tpu.memory_space<semaphore_mem>> -> memref<!tpu.dma_semaphore, #tpu.memory_space<semaphore_mem>>
    %dma_start3A_326 = arith.constant 0 : i32
    %dma_start3A_327 = tpu.memref_slice %arg3[%dma_start3A_314, %add3A_312, %dma_start3A_326] : memref<4x4096x1024xf32, #tpu.memory_space<hbm>> -> memref<1x48x1024xf32, #tpu.memory_space<hbm>>
    %dma_start3A_328 = tpu.memref_squeeze %dma_start3A_327 : memref<1x48x1024xf32, #tpu.memory_space<hbm>> -> memref<48x1024xf32, #tpu.memory_space<hbm>>
    %dma_start3A_329 = arith.constant 0 : i32
    %dma_start3A_330 = arith.constant 0 : i32
    %dma_start3A_331 = tpu.memref_slice %arg4[%dma_start3A_313, %dma_start3A_329, %dma_start3A_330] : memref<2x48x1024xf32, #tpu.memory_space<vmem>> -> memref<1x48x1024xf32, #tpu.memory_space<vmem>>
    %dma_start3A_332 = tpu.memref_squeeze %dma_start3A_331 : memref<1x48x1024xf32, #tpu.memory_space<vmem>> -> memref<48x1024xf32, #tpu.memory_space<vmem>>
    tpu.enqueue_dma source(%dma_start3A_332 : memref<48x1024xf32, #tpu.memory_space<vmem>>) target(%dma_start3A_328 : memref<48x1024xf32, #tpu.memory_space<hbm>>) target_semaphore(%dma_start3A_325 : memref<!tpu.dma_semaphore, #tpu.memory_space<semaphore_mem>>)
    %add3A_333 = arith.constant 48 : i32
    %add3A_334 = arith.addi %mul3A_2, %add3A_333 : i32
    %dma_start3A_335 = arith.constant 1 : i32
    %dma_start3A_336 = arith.constant 0 : i32
    %dma_start3A_337 = arith.constant 1 : i32
    %dma_start3A_338 = arith.constant 0 : i32
    %dma_start3A_339 = arith.constant 0 : i32
    %dma_start3A_340 = arith.constant 0 : i32
    %dma_start3A_341 = tpu.memref_slice %arg4[%dma_start3A_335, %dma_start3A_339, %dma_start3A_340] : memref<2x48x1024xf32, #tpu.memory_space<vmem>> -> memref<1x48x1024xf32, #tpu.memory_space<vmem>>
    %dma_start3A_342 = tpu.memref_squeeze %dma_start3A_341 : memref<1x48x1024xf32, #tpu.memory_space<vmem>> -> memref<48x1024xf32, #tpu.memory_space<vmem>>
    %dma_start3A_343 = arith.constant 0 : i32
    %dma_start3A_344 = tpu.memref_slice %arg3[%dma_start3A_336, %add3A_334, %dma_start3A_343] : memref<4x4096x1024xf32, #tpu.memory_space<hbm>> -> memref<1x48x1024xf32, #tpu.memory_space<hbm>>
    %dma_start3A_345 = tpu.memref_squeeze %dma_start3A_344 : memref<1x48x1024xf32, #tpu.memory_space<hbm>> -> memref<48x1024xf32, #tpu.memory_space<hbm>>
    %dma_start3A_346 = tpu.memref_slice %arg6[%dma_start3A_337, %dma_start3A_338] : memref<2x4x!tpu.dma_semaphore, #tpu.memory_space<semaphore_mem>> -> memref<1x1x!tpu.dma_semaphore, #tpu.memory_space<semaphore_mem>>
    %dma_start3A_347 = tpu.memref_squeeze %dma_start3A_346 : memref<1x1x!tpu.dma_semaphore, #tpu.memory_space<semaphore_mem>> -> memref<!tpu.dma_semaphore, #tpu.memory_space<semaphore_mem>>
    %dma_start3A_348 = arith.constant 0 : i32
    %dma_start3A_349 = tpu.memref_slice %arg3[%dma_start3A_336, %add3A_334, %dma_start3A_348] : memref<4x4096x1024xf32, #tpu.memory_space<hbm>> -> memref<1x48x1024xf32, #tpu.memory_space<hbm>>
    %dma_start3A_350 = tpu.memref_squeeze %dma_start3A_349 : memref<1x48x1024xf32, #tpu.memory_space<hbm>> -> memref<48x1024xf32, #tpu.memory_space<hbm>>
    %dma_start3A_351 = arith.constant 0 : i32
    %dma_start3A_352 = arith.constant 0 : i32
    %dma_start3A_353 = tpu.memref_slice %arg4[%dma_start3A_335, %dma_start3A_351, %dma_start3A_352] : memref<2x48x1024xf32, #tpu.memory_space<vmem>> -> memref<1x48x1024xf32, #tpu.memory_space<vmem>>
    %dma_start3A_354 = tpu.memref_squeeze %dma_start3A_353 : memref<1x48x1024xf32, #tpu.memory_space<vmem>> -> memref<48x1024xf32, #tpu.memory_space<vmem>>
    tpu.enqueue_dma source(%dma_start3A_354 : memref<48x1024xf32, #tpu.memory_space<vmem>>) target(%dma_start3A_350 : memref<48x1024xf32, #tpu.memory_space<hbm>>) target_semaphore(%dma_start3A_347 : memref<!tpu.dma_semaphore, #tpu.memory_space<semaphore_mem>>)
    %add3A_355 = arith.constant 96 : i32
    %add3A_356 = arith.addi %mul3A_2, %add3A_355 : i32
    %dma_wait3A_357 = arith.constant 0 : i32
    %dma_wait3A_358 = arith.constant 0 : i32
    %dma_wait3A_359 = arith.constant 0 : i32
    %dma_wait3A_360 = arith.constant 0 : i32
    %dma_wait3A_361 = tpu.memref_slice %arg4[%dma_wait3A_357, %dma_wait3A_359, %dma_wait3A_360] : memref<2x48x1024xf32, #tpu.memory_space<vmem>> -> memref<1x32x1024xf32, #tpu.memory_space<vmem>>
    %dma_wait3A_362 = tpu.memref_squeeze %dma_wait3A_361 : memref<1x32x1024xf32, #tpu.memory_space<vmem>> -> memref<32x1024xf32, #tpu.memory_space<vmem>>
    %dma_wait3A_363 = arith.constant 0 : i32
    %dma_wait3A_364 = tpu.memref_slice %arg2[%add3A_356, %dma_wait3A_363] : memref<8192x1024xf32, #tpu.memory_space<hbm>> -> memref<32x1024xf32, #tpu.memory_space<hbm>>
    %dma_wait3A_365 = tpu.memref_slice %arg5[%dma_wait3A_358] : memref<2x!tpu.dma_semaphore, #tpu.memory_space<semaphore_mem>> -> memref<1x!tpu.dma_semaphore, #tpu.memory_space<semaphore_mem>>
    %dma_wait3A_366 = tpu.memref_squeeze %dma_wait3A_365 : memref<1x!tpu.dma_semaphore, #tpu.memory_space<semaphore_mem>> -> memref<!tpu.dma_semaphore, #tpu.memory_space<semaphore_mem>>
    %dma_wait3A_367 = arith.constant 0 : i32
    %dma_wait3A_368 = arith.constant 0 : i32
    %dma_wait3A_369 = tpu.memref_slice %arg4[%dma_wait3A_357, %dma_wait3A_367, %dma_wait3A_368] : memref<2x48x1024xf32, #tpu.memory_space<vmem>> -> memref<1x32x1024xf32, #tpu.memory_space<vmem>>
    %dma_wait3A_370 = tpu.memref_squeeze %dma_wait3A_369 : memref<1x32x1024xf32, #tpu.memory_space<vmem>> -> memref<32x1024xf32, #tpu.memory_space<vmem>>
    %dma_wait3A_371 = arith.constant 0 : i32
    %dma_wait3A_372 = tpu.memref_slice %arg2[%add3A_356, %dma_wait3A_371] : memref<8192x1024xf32, #tpu.memory_space<hbm>> -> memref<32x1024xf32, #tpu.memory_space<hbm>>
    tpu.wait_dma2 semaphore(%dma_wait3A_366 : memref<!tpu.dma_semaphore, #tpu.memory_space<semaphore_mem>>) src(%dma_wait3A_372 : memref<32x1024xf32, #tpu.memory_space<hbm>>) dst(%dma_wait3A_370 : memref<32x1024xf32, #tpu.memory_space<vmem>>)
    %add3A_373 = arith.constant 96 : i32
    %add3A_374 = arith.addi %mul3A_2, %add3A_373 : i32
    %dma_start3A_375 = arith.constant 0 : i32
    %dma_start3A_376 = arith.constant 2 : i32
    %dma_start3A_377 = arith.constant 0 : i32
    %dma_start3A_378 = arith.constant 2 : i32
    %dma_start3A_379 = arith.constant 0 : i32
    %dma_start3A_380 = arith.constant 0 : i32
    %dma_start3A_381 = tpu.memref_slice %arg4[%dma_start3A_375, %dma_start3A_379, %dma_start3A_380] : memref<2x48x1024xf32, #tpu.memory_space<vmem>> -> memref<1x32x1024xf32, #tpu.memory_space<vmem>>
    %dma_start3A_382 = tpu.memref_squeeze %dma_start3A_381 : memref<1x32x1024xf32, #tpu.memory_space<vmem>> -> memref<32x1024xf32, #tpu.memory_space<vmem>>
    %dma_start3A_383 = arith.constant 0 : i32
    %dma_start3A_384 = tpu.memref_slice %arg3[%dma_start3A_376, %add3A_374, %dma_start3A_383] : memref<4x4096x1024xf32, #tpu.memory_space<hbm>> -> memref<1x32x1024xf32, #tpu.memory_space<hbm>>
    %dma_start3A_385 = tpu.memref_squeeze %dma_start3A_384 : memref<1x32x1024xf32, #tpu.memory_space<hbm>> -> memref<32x1024xf32, #tpu.memory_space<hbm>>
    %dma_start3A_386 = tpu.memref_slice %arg6[%dma_start3A_377, %dma_start3A_378] : memref<2x4x!tpu.dma_semaphore, #tpu.memory_space<semaphore_mem>> -> memref<1x1x!tpu.dma_semaphore, #tpu.memory_space<semaphore_mem>>
    %dma_start3A_387 = tpu.memref_squeeze %dma_start3A_386 : memref<1x1x!tpu.dma_semaphore, #tpu.memory_space<semaphore_mem>> -> memref<!tpu.dma_semaphore, #tpu.memory_space<semaphore_mem>>
    %dma_start3A_388 = arith.constant 0 : i32
    %dma_start3A_389 = tpu.memref_slice %arg3[%dma_start3A_376, %add3A_374, %dma_start3A_388] : memref<4x4096x1024xf32, #tpu.memory_space<hbm>> -> memref<1x32x1024xf32, #tpu.memory_space<hbm>>
    %dma_start3A_390 = tpu.memref_squeeze %dma_start3A_389 : memref<1x32x1024xf32, #tpu.memory_space<hbm>> -> memref<32x1024xf32, #tpu.memory_space<hbm>>
    %dma_start3A_391 = arith.constant 0 : i32
    %dma_start3A_392 = arith.constant 0 : i32
    %dma_start3A_393 = tpu.memref_slice %arg4[%dma_start3A_375, %dma_start3A_391, %dma_start3A_392] : memref<2x48x1024xf32, #tpu.memory_space<vmem>> -> memref<1x32x1024xf32, #tpu.memory_space<vmem>>
    %dma_start3A_394 = tpu.memref_squeeze %dma_start3A_393 : memref<1x32x1024xf32, #tpu.memory_space<vmem>> -> memref<32x1024xf32, #tpu.memory_space<vmem>>
    tpu.enqueue_dma source(%dma_start3A_394 : memref<32x1024xf32, #tpu.memory_space<vmem>>) target(%dma_start3A_390 : memref<32x1024xf32, #tpu.memory_space<hbm>>) target_semaphore(%dma_start3A_387 : memref<!tpu.dma_semaphore, #tpu.memory_space<semaphore_mem>>)
    %add3A_395 = arith.constant 96 : i32
    %add3A_396 = arith.addi %mul3A_2, %add3A_395 : i32
    %dma_start3A_397 = arith.constant 0 : i32
    %dma_start3A_398 = arith.constant 3 : i32
    %dma_start3A_399 = arith.constant 0 : i32
    %dma_start3A_400 = arith.constant 3 : i32
    %dma_start3A_401 = arith.constant 0 : i32
    %dma_start3A_402 = arith.constant 0 : i32
    %dma_start3A_403 = tpu.memref_slice %arg4[%dma_start3A_397, %dma_start3A_401, %dma_start3A_402] : memref<2x48x1024xf32, #tpu.memory_space<vmem>> -> memref<1x32x1024xf32, #tpu.memory_space<vmem>>
    %dma_start3A_404 = tpu.memref_squeeze %dma_start3A_403 : memref<1x32x1024xf32, #tpu.memory_space<vmem>> -> memref<32x1024xf32, #tpu.memory_space<vmem>>
    %dma_start3A_405 = arith.constant 0 : i32
    %dma_start3A_406 = tpu.memref_slice %arg3[%dma_start3A_398, %add3A_396, %dma_start3A_405] : memref<4x4096x1024xf32, #tpu.memory_space<hbm>> -> memref<1x32x1024xf32, #tpu.memory_space<hbm>>
    %dma_start3A_407 = tpu.memref_squeeze %dma_start3A_406 : memref<1x32x1024xf32, #tpu.memory_space<hbm>> -> memref<32x1024xf32, #tpu.memory_space<hbm>>
    %dma_start3A_408 = tpu.memref_slice %arg6[%dma_start3A_399, %dma_start3A_400] : memref<2x4x!tpu.dma_semaphore, #tpu.memory_space<semaphore_mem>> -> memref<1x1x!tpu.dma_semaphore, #tpu.memory_space<semaphore_mem>>
    %dma_start3A_409 = tpu.memref_squeeze %dma_start3A_408 : memref<1x1x!tpu.dma_semaphore, #tpu.memory_space<semaphore_mem>> -> memref<!tpu.dma_semaphore, #tpu.memory_space<semaphore_mem>>
    %dma_start3A_410 = arith.constant 0 : i32
    %dma_start3A_411 = tpu.memref_slice %arg3[%dma_start3A_398, %add3A_396, %dma_start3A_410] : memref<4x4096x1024xf32, #tpu.memory_space<hbm>> -> memref<1x32x1024xf32, #tpu.memory_space<hbm>>
    %dma_start3A_412 = tpu.memref_squeeze %dma_start3A_411 : memref<1x32x1024xf32, #tpu.memory_space<hbm>> -> memref<32x1024xf32, #tpu.memory_space<hbm>>
    %dma_start3A_413 = arith.constant 0 : i32
    %dma_start3A_414 = arith.constant 0 : i32
    %dma_start3A_415 = tpu.memref_slice %arg4[%dma_start3A_397, %dma_start3A_413, %dma_start3A_414] : memref<2x48x1024xf32, #tpu.memory_space<vmem>> -> memref<1x32x1024xf32, #tpu.memory_space<vmem>>
    %dma_start3A_416 = tpu.memref_squeeze %dma_start3A_415 : memref<1x32x1024xf32, #tpu.memory_space<vmem>> -> memref<32x1024xf32, #tpu.memory_space<vmem>>
    tpu.enqueue_dma source(%dma_start3A_416 : memref<32x1024xf32, #tpu.memory_space<vmem>>) target(%dma_start3A_412 : memref<32x1024xf32, #tpu.memory_space<hbm>>) target_semaphore(%dma_start3A_409 : memref<!tpu.dma_semaphore, #tpu.memory_space<semaphore_mem>>)
    %add3A_417 = arith.constant 96 : i32
    %add3A_418 = arith.addi %mul3A_2, %add3A_417 : i32
    %dma_start3A_419 = arith.constant 0 : i32
    %dma_start3A_420 = arith.constant 0 : i32
    %dma_start3A_421 = arith.constant 0 : i32
    %dma_start3A_422 = arith.constant 0 : i32
    %dma_start3A_423 = arith.constant 0 : i32
    %dma_start3A_424 = arith.constant 0 : i32
    %dma_start3A_425 = tpu.memref_slice %arg4[%dma_start3A_419, %dma_start3A_423, %dma_start3A_424] : memref<2x48x1024xf32, #tpu.memory_space<vmem>> -> memref<1x32x1024xf32, #tpu.memory_space<vmem>>
    %dma_start3A_426 = tpu.memref_squeeze %dma_start3A_425 : memref<1x32x1024xf32, #tpu.memory_space<vmem>> -> memref<32x1024xf32, #tpu.memory_space<vmem>>
    %dma_start3A_427 = arith.constant 0 : i32
    %dma_start3A_428 = tpu.memref_slice %arg3[%dma_start3A_420, %add3A_418, %dma_start3A_427] : memref<4x4096x1024xf32, #tpu.memory_space<hbm>> -> memref<1x32x1024xf32, #tpu.memory_space<hbm>>
    %dma_start3A_429 = tpu.memref_squeeze %dma_start3A_428 : memref<1x32x1024xf32, #tpu.memory_space<hbm>> -> memref<32x1024xf32, #tpu.memory_space<hbm>>
    %dma_start3A_430 = tpu.memref_slice %arg6[%dma_start3A_421, %dma_start3A_422] : memref<2x4x!tpu.dma_semaphore, #tpu.memory_space<semaphore_mem>> -> memref<1x1x!tpu.dma_semaphore, #tpu.memory_space<semaphore_mem>>
    %dma_start3A_431 = tpu.memref_squeeze %dma_start3A_430 : memref<1x1x!tpu.dma_semaphore, #tpu.memory_space<semaphore_mem>> -> memref<!tpu.dma_semaphore, #tpu.memory_space<semaphore_mem>>
    %dma_start3A_432 = arith.constant 0 : i32
    %dma_start3A_433 = tpu.memref_slice %arg3[%dma_start3A_420, %add3A_418, %dma_start3A_432] : memref<4x4096x1024xf32, #tpu.memory_space<hbm>> -> memref<1x32x1024xf32, #tpu.memory_space<hbm>>
    %dma_start3A_434 = tpu.memref_squeeze %dma_start3A_433 : memref<1x32x1024xf32, #tpu.memory_space<hbm>> -> memref<32x1024xf32, #tpu.memory_space<hbm>>
    %dma_start3A_435 = arith.constant 0 : i32
    %dma_start3A_436 = arith.constant 0 : i32
    %dma_start3A_437 = tpu.memref_slice %arg4[%dma_start3A_419, %dma_start3A_435, %dma_start3A_436] : memref<2x48x1024xf32, #tpu.memory_space<vmem>> -> memref<1x32x1024xf32, #tpu.memory_space<vmem>>
    %dma_start3A_438 = tpu.memref_squeeze %dma_start3A_437 : memref<1x32x1024xf32, #tpu.memory_space<vmem>> -> memref<32x1024xf32, #tpu.memory_space<vmem>>
    tpu.enqueue_dma source(%dma_start3A_438 : memref<32x1024xf32, #tpu.memory_space<vmem>>) target(%dma_start3A_434 : memref<32x1024xf32, #tpu.memory_space<hbm>>) target_semaphore(%dma_start3A_431 : memref<!tpu.dma_semaphore, #tpu.memory_space<semaphore_mem>>)
    %add3A_439 = arith.constant 96 : i32
    %add3A_440 = arith.addi %mul3A_2, %add3A_439 : i32
    %dma_start3A_441 = arith.constant 0 : i32
    %dma_start3A_442 = arith.constant 1 : i32
    %dma_start3A_443 = arith.constant 0 : i32
    %dma_start3A_444 = arith.constant 1 : i32
    %dma_start3A_445 = arith.constant 0 : i32
    %dma_start3A_446 = arith.constant 0 : i32
    %dma_start3A_447 = tpu.memref_slice %arg4[%dma_start3A_441, %dma_start3A_445, %dma_start3A_446] : memref<2x48x1024xf32, #tpu.memory_space<vmem>> -> memref<1x32x1024xf32, #tpu.memory_space<vmem>>
    %dma_start3A_448 = tpu.memref_squeeze %dma_start3A_447 : memref<1x32x1024xf32, #tpu.memory_space<vmem>> -> memref<32x1024xf32, #tpu.memory_space<vmem>>
    %dma_start3A_449 = arith.constant 0 : i32
    %dma_start3A_450 = tpu.memref_slice %arg3[%dma_start3A_442, %add3A_440, %dma_start3A_449] : memref<4x4096x1024xf32, #tpu.memory_space<hbm>> -> memref<1x32x1024xf32, #tpu.memory_space<hbm>>
    %dma_start3A_451 = tpu.memref_squeeze %dma_start3A_450 : memref<1x32x1024xf32, #tpu.memory_space<hbm>> -> memref<32x1024xf32, #tpu.memory_space<hbm>>
    %dma_start3A_452 = tpu.memref_slice %arg6[%dma_start3A_443, %dma_start3A_444] : memref<2x4x!tpu.dma_semaphore, #tpu.memory_space<semaphore_mem>> -> memref<1x1x!tpu.dma_semaphore, #tpu.memory_space<semaphore_mem>>
    %dma_start3A_453 = tpu.memref_squeeze %dma_start3A_452 : memref<1x1x!tpu.dma_semaphore, #tpu.memory_space<semaphore_mem>> -> memref<!tpu.dma_semaphore, #tpu.memory_space<semaphore_mem>>
    %dma_start3A_454 = arith.constant 0 : i32
    %dma_start3A_455 = tpu.memref_slice %arg3[%dma_start3A_442, %add3A_440, %dma_start3A_454] : memref<4x4096x1024xf32, #tpu.memory_space<hbm>> -> memref<1x32x1024xf32, #tpu.memory_space<hbm>>
    %dma_start3A_456 = tpu.memref_squeeze %dma_start3A_455 : memref<1x32x1024xf32, #tpu.memory_space<hbm>> -> memref<32x1024xf32, #tpu.memory_space<hbm>>
    %dma_start3A_457 = arith.constant 0 : i32
    %dma_start3A_458 = arith.constant 0 : i32
    %dma_start3A_459 = tpu.memref_slice %arg4[%dma_start3A_441, %dma_start3A_457, %dma_start3A_458] : memref<2x48x1024xf32, #tpu.memory_space<vmem>> -> memref<1x32x1024xf32, #tpu.memory_space<vmem>>
    %dma_start3A_460 = tpu.memref_squeeze %dma_start3A_459 : memref<1x32x1024xf32, #tpu.memory_space<vmem>> -> memref<32x1024xf32, #tpu.memory_space<vmem>>
    tpu.enqueue_dma source(%dma_start3A_460 : memref<32x1024xf32, #tpu.memory_space<vmem>>) target(%dma_start3A_456 : memref<32x1024xf32, #tpu.memory_space<hbm>>) target_semaphore(%dma_start3A_453 : memref<!tpu.dma_semaphore, #tpu.memory_space<semaphore_mem>>)
    %add3A_461 = arith.constant 48 : i32
    %add3A_462 = arith.addi %mul3A_2, %add3A_461 : i32
    %dma_wait3A_463 = arith.constant 1 : i32
    %dma_wait3A_464 = arith.constant 0 : i32
    %dma_wait3A_465 = arith.constant 1 : i32
    %dma_wait3A_466 = arith.constant 0 : i32
    %dma_wait3A_467 = arith.constant 0 : i32
    %dma_wait3A_468 = arith.constant 0 : i32
    %dma_wait3A_469 = tpu.memref_slice %arg4[%dma_wait3A_463, %dma_wait3A_467, %dma_wait3A_468] : memref<2x48x1024xf32, #tpu.memory_space<vmem>> -> memref<1x48x1024xf32, #tpu.memory_space<vmem>>
    %dma_wait3A_470 = tpu.memref_squeeze %dma_wait3A_469 : memref<1x48x1024xf32, #tpu.memory_space<vmem>> -> memref<48x1024xf32, #tpu.memory_space<vmem>>
    %dma_wait3A_471 = arith.constant 0 : i32
    %dma_wait3A_472 = tpu.memref_slice %arg3[%dma_wait3A_464, %add3A_462, %dma_wait3A_471] : memref<4x4096x1024xf32, #tpu.memory_space<hbm>> -> memref<1x48x1024xf32, #tpu.memory_space<hbm>>
    %dma_wait3A_473 = tpu.memref_squeeze %dma_wait3A_472 : memref<1x48x1024xf32, #tpu.memory_space<hbm>> -> memref<48x1024xf32, #tpu.memory_space<hbm>>
    %dma_wait3A_474 = tpu.memref_slice %arg6[%dma_wait3A_465, %dma_wait3A_466] : memref<2x4x!tpu.dma_semaphore, #tpu.memory_space<semaphore_mem>> -> memref<1x1x!tpu.dma_semaphore, #tpu.memory_space<semaphore_mem>>
    %dma_wait3A_475 = tpu.memref_squeeze %dma_wait3A_474 : memref<1x1x!tpu.dma_semaphore, #tpu.memory_space<semaphore_mem>> -> memref<!tpu.dma_semaphore, #tpu.memory_space<semaphore_mem>>
    %dma_wait3A_476 = arith.constant 0 : i32
    %dma_wait3A_477 = tpu.memref_slice %arg3[%dma_wait3A_464, %add3A_462, %dma_wait3A_476] : memref<4x4096x1024xf32, #tpu.memory_space<hbm>> -> memref<1x48x1024xf32, #tpu.memory_space<hbm>>
    %dma_wait3A_478 = tpu.memref_squeeze %dma_wait3A_477 : memref<1x48x1024xf32, #tpu.memory_space<hbm>> -> memref<48x1024xf32, #tpu.memory_space<hbm>>
    %dma_wait3A_479 = arith.constant 0 : i32
    %dma_wait3A_480 = arith.constant 0 : i32
    %dma_wait3A_481 = tpu.memref_slice %arg4[%dma_wait3A_463, %dma_wait3A_479, %dma_wait3A_480] : memref<2x48x1024xf32, #tpu.memory_space<vmem>> -> memref<1x48x1024xf32, #tpu.memory_space<vmem>>
    %dma_wait3A_482 = tpu.memref_squeeze %dma_wait3A_481 : memref<1x48x1024xf32, #tpu.memory_space<vmem>> -> memref<48x1024xf32, #tpu.memory_space<vmem>>
    tpu.wait_dma2 semaphore(%dma_wait3A_475 : memref<!tpu.dma_semaphore, #tpu.memory_space<semaphore_mem>>) src(%dma_wait3A_482 : memref<48x1024xf32, #tpu.memory_space<vmem>>) dst(%dma_wait3A_478 : memref<48x1024xf32, #tpu.memory_space<hbm>>)
    %add3A_483 = arith.constant 48 : i32
    %add3A_484 = arith.addi %mul3A_2, %add3A_483 : i32
    %dma_wait3A_485 = arith.constant 1 : i32
    %dma_wait3A_486 = arith.constant 1 : i32
    %dma_wait3A_487 = arith.constant 1 : i32
    %dma_wait3A_488 = arith.constant 1 : i32
    %dma_wait3A_489 = arith.constant 0 : i32
    %dma_wait3A_490 = arith.constant 0 : i32
    %dma_wait3A_491 = tpu.memref_slice %arg4[%dma_wait3A_485, %dma_wait3A_489, %dma_wait3A_490] : memref<2x48x1024xf32, #tpu.memory_space<vmem>> -> memref<1x48x1024xf32, #tpu.memory_space<vmem>>
    %dma_wait3A_492 = tpu.memref_squeeze %dma_wait3A_491 : memref<1x48x1024xf32, #tpu.memory_space<vmem>> -> memref<48x1024xf32, #tpu.memory_space<vmem>>
    %dma_wait3A_493 = arith.constant 0 : i32
    %dma_wait3A_494 = tpu.memref_slice %arg3[%dma_wait3A_486, %add3A_484, %dma_wait3A_493] : memref<4x4096x1024xf32, #tpu.memory_space<hbm>> -> memref<1x48x1024xf32, #tpu.memory_space<hbm>>
    %dma_wait3A_495 = tpu.memref_squeeze %dma_wait3A_494 : memref<1x48x1024xf32, #tpu.memory_space<hbm>> -> memref<48x1024xf32, #tpu.memory_space<hbm>>
    %dma_wait3A_496 = tpu.memref_slice %arg6[%dma_wait3A_487, %dma_wait3A_488] : memref<2x4x!tpu.dma_semaphore, #tpu.memory_space<semaphore_mem>> -> memref<1x1x!tpu.dma_semaphore, #tpu.memory_space<semaphore_mem>>
    %dma_wait3A_497 = tpu.memref_squeeze %dma_wait3A_496 : memref<1x1x!tpu.dma_semaphore, #tpu.memory_space<semaphore_mem>> -> memref<!tpu.dma_semaphore, #tpu.memory_space<semaphore_mem>>
    %dma_wait3A_498 = arith.constant 0 : i32
    %dma_wait3A_499 = tpu.memref_slice %arg3[%dma_wait3A_486, %add3A_484, %dma_wait3A_498] : memref<4x4096x1024xf32, #tpu.memory_space<hbm>> -> memref<1x48x1024xf32, #tpu.memory_space<hbm>>
    %dma_wait3A_500 = tpu.memref_squeeze %dma_wait3A_499 : memref<1x48x1024xf32, #tpu.memory_space<hbm>> -> memref<48x1024xf32, #tpu.memory_space<hbm>>
    %dma_wait3A_501 = arith.constant 0 : i32
    %dma_wait3A_502 = arith.constant 0 : i32
    %dma_wait3A_503 = tpu.memref_slice %arg4[%dma_wait3A_485, %dma_wait3A_501, %dma_wait3A_502] : memref<2x48x1024xf32, #tpu.memory_space<vmem>> -> memref<1x48x1024xf32, #tpu.memory_space<vmem>>
    %dma_wait3A_504 = tpu.memref_squeeze %dma_wait3A_503 : memref<1x48x1024xf32, #tpu.memory_space<vmem>> -> memref<48x1024xf32, #tpu.memory_space<vmem>>
    tpu.wait_dma2 semaphore(%dma_wait3A_497 : memref<!tpu.dma_semaphore, #tpu.memory_space<semaphore_mem>>) src(%dma_wait3A_504 : memref<48x1024xf32, #tpu.memory_space<vmem>>) dst(%dma_wait3A_500 : memref<48x1024xf32, #tpu.memory_space<hbm>>)
    %add3A_505 = arith.constant 48 : i32
    %add3A_506 = arith.addi %mul3A_2, %add3A_505 : i32
    %dma_wait3A_507 = arith.constant 1 : i32
    %dma_wait3A_508 = arith.constant 2 : i32
    %dma_wait3A_509 = arith.constant 1 : i32
    %dma_wait3A_510 = arith.constant 2 : i32
    %dma_wait3A_511 = arith.constant 0 : i32
    %dma_wait3A_512 = arith.constant 0 : i32
    %dma_wait3A_513 = tpu.memref_slice %arg4[%dma_wait3A_507, %dma_wait3A_511, %dma_wait3A_512] : memref<2x48x1024xf32, #tpu.memory_space<vmem>> -> memref<1x48x1024xf32, #tpu.memory_space<vmem>>
    %dma_wait3A_514 = tpu.memref_squeeze %dma_wait3A_513 : memref<1x48x1024xf32, #tpu.memory_space<vmem>> -> memref<48x1024xf32, #tpu.memory_space<vmem>>
    %dma_wait3A_515 = arith.constant 0 : i32
    %dma_wait3A_516 = tpu.memref_slice %arg3[%dma_wait3A_508, %add3A_506, %dma_wait3A_515] : memref<4x4096x1024xf32, #tpu.memory_space<hbm>> -> memref<1x48x1024xf32, #tpu.memory_space<hbm>>
    %dma_wait3A_517 = tpu.memref_squeeze %dma_wait3A_516 : memref<1x48x1024xf32, #tpu.memory_space<hbm>> -> memref<48x1024xf32, #tpu.memory_space<hbm>>
    %dma_wait3A_518 = tpu.memref_slice %arg6[%dma_wait3A_509, %dma_wait3A_510] : memref<2x4x!tpu.dma_semaphore, #tpu.memory_space<semaphore_mem>> -> memref<1x1x!tpu.dma_semaphore, #tpu.memory_space<semaphore_mem>>
    %dma_wait3A_519 = tpu.memref_squeeze %dma_wait3A_518 : memref<1x1x!tpu.dma_semaphore, #tpu.memory_space<semaphore_mem>> -> memref<!tpu.dma_semaphore, #tpu.memory_space<semaphore_mem>>
    %dma_wait3A_520 = arith.constant 0 : i32
    %dma_wait3A_521 = tpu.memref_slice %arg3[%dma_wait3A_508, %add3A_506, %dma_wait3A_520] : memref<4x4096x1024xf32, #tpu.memory_space<hbm>> -> memref<1x48x1024xf32, #tpu.memory_space<hbm>>
    %dma_wait3A_522 = tpu.memref_squeeze %dma_wait3A_521 : memref<1x48x1024xf32, #tpu.memory_space<hbm>> -> memref<48x1024xf32, #tpu.memory_space<hbm>>
    %dma_wait3A_523 = arith.constant 0 : i32
    %dma_wait3A_524 = arith.constant 0 : i32
    %dma_wait3A_525 = tpu.memref_slice %arg4[%dma_wait3A_507, %dma_wait3A_523, %dma_wait3A_524] : memref<2x48x1024xf32, #tpu.memory_space<vmem>> -> memref<1x48x1024xf32, #tpu.memory_space<vmem>>
    %dma_wait3A_526 = tpu.memref_squeeze %dma_wait3A_525 : memref<1x48x1024xf32, #tpu.memory_space<vmem>> -> memref<48x1024xf32, #tpu.memory_space<vmem>>
    tpu.wait_dma2 semaphore(%dma_wait3A_519 : memref<!tpu.dma_semaphore, #tpu.memory_space<semaphore_mem>>) src(%dma_wait3A_526 : memref<48x1024xf32, #tpu.memory_space<vmem>>) dst(%dma_wait3A_522 : memref<48x1024xf32, #tpu.memory_space<hbm>>)
    %add3A_527 = arith.constant 48 : i32
    %add3A_528 = arith.addi %mul3A_2, %add3A_527 : i32
    %dma_wait3A_529 = arith.constant 1 : i32
    %dma_wait3A_530 = arith.constant 3 : i32
    %dma_wait3A_531 = arith.constant 1 : i32
    %dma_wait3A_532 = arith.constant 3 : i32
    %dma_wait3A_533 = arith.constant 0 : i32
    %dma_wait3A_534 = arith.constant 0 : i32
    %dma_wait3A_535 = tpu.memref_slice %arg4[%dma_wait3A_529, %dma_wait3A_533, %dma_wait3A_534] : memref<2x48x1024xf32, #tpu.memory_space<vmem>> -> memref<1x48x1024xf32, #tpu.memory_space<vmem>>
    %dma_wait3A_536 = tpu.memref_squeeze %dma_wait3A_535 : memref<1x48x1024xf32, #tpu.memory_space<vmem>> -> memref<48x1024xf32, #tpu.memory_space<vmem>>
    %dma_wait3A_537 = arith.constant 0 : i32
    %dma_wait3A_538 = tpu.memref_slice %arg3[%dma_wait3A_530, %add3A_528, %dma_wait3A_537] : memref<4x4096x1024xf32, #tpu.memory_space<hbm>> -> memref<1x48x1024xf32, #tpu.memory_space<hbm>>
    %dma_wait3A_539 = tpu.memref_squeeze %dma_wait3A_538 : memref<1x48x1024xf32, #tpu.memory_space<hbm>> -> memref<48x1024xf32, #tpu.memory_space<hbm>>
    %dma_wait3A_540 = tpu.memref_slice %arg6[%dma_wait3A_531, %dma_wait3A_532] : memref<2x4x!tpu.dma_semaphore, #tpu.memory_space<semaphore_mem>> -> memref<1x1x!tpu.dma_semaphore, #tpu.memory_space<semaphore_mem>>
    %dma_wait3A_541 = tpu.memref_squeeze %dma_wait3A_540 : memref<1x1x!tpu.dma_semaphore, #tpu.memory_space<semaphore_mem>> -> memref<!tpu.dma_semaphore, #tpu.memory_space<semaphore_mem>>
    %dma_wait3A_542 = arith.constant 0 : i32
    %dma_wait3A_543 = tpu.memref_slice %arg3[%dma_wait3A_530, %add3A_528, %dma_wait3A_542] : memref<4x4096x1024xf32, #tpu.memory_space<hbm>> -> memref<1x48x1024xf32, #tpu.memory_space<hbm>>
    %dma_wait3A_544 = tpu.memref_squeeze %dma_wait3A_543 : memref<1x48x1024xf32, #tpu.memory_space<hbm>> -> memref<48x1024xf32, #tpu.memory_space<hbm>>
    %dma_wait3A_545 = arith.constant 0 : i32
    %dma_wait3A_546 = arith.constant 0 : i32
    %dma_wait3A_547 = tpu.memref_slice %arg4[%dma_wait3A_529, %dma_wait3A_545, %dma_wait3A_546] : memref<2x48x1024xf32, #tpu.memory_space<vmem>> -> memref<1x48x1024xf32, #tpu.memory_space<vmem>>
    %dma_wait3A_548 = tpu.memref_squeeze %dma_wait3A_547 : memref<1x48x1024xf32, #tpu.memory_space<vmem>> -> memref<48x1024xf32, #tpu.memory_space<vmem>>
    tpu.wait_dma2 semaphore(%dma_wait3A_541 : memref<!tpu.dma_semaphore, #tpu.memory_space<semaphore_mem>>) src(%dma_wait3A_548 : memref<48x1024xf32, #tpu.memory_space<vmem>>) dst(%dma_wait3A_544 : memref<48x1024xf32, #tpu.memory_space<hbm>>)
    %add3A_549 = arith.constant 96 : i32
    %add3A_550 = arith.addi %mul3A_2, %add3A_549 : i32
    %dma_wait3A_551 = arith.constant 0 : i32
    %dma_wait3A_552 = arith.constant 0 : i32
    %dma_wait3A_553 = arith.constant 0 : i32
    %dma_wait3A_554 = arith.constant 0 : i32
    %dma_wait3A_555 = arith.constant 0 : i32
    %dma_wait3A_556 = arith.constant 0 : i32
    %dma_wait3A_557 = tpu.memref_slice %arg4[%dma_wait3A_551, %dma_wait3A_555, %dma_wait3A_556] : memref<2x48x1024xf32, #tpu.memory_space<vmem>> -> memref<1x32x1024xf32, #tpu.memory_space<vmem>>
    %dma_wait3A_558 = tpu.memref_squeeze %dma_wait3A_557 : memref<1x32x1024xf32, #tpu.memory_space<vmem>> -> memref<32x1024xf32, #tpu.memory_space<vmem>>
    %dma_wait3A_559 = arith.constant 0 : i32
    %dma_wait3A_560 = tpu.memref_slice %arg3[%dma_wait3A_552, %add3A_550, %dma_wait3A_559] : memref<4x4096x1024xf32, #tpu.memory_space<hbm>> -> memref<1x32x1024xf32, #tpu.memory_space<hbm>>
    %dma_wait3A_561 = tpu.memref_squeeze %dma_wait3A_560 : memref<1x32x1024xf32, #tpu.memory_space<hbm>> -> memref<32x1024xf32, #tpu.memory_space<hbm>>
    %dma_wait3A_562 = tpu.memref_slice %arg6[%dma_wait3A_553, %dma_wait3A_554] : memref<2x4x!tpu.dma_semaphore, #tpu.memory_space<semaphore_mem>> -> memref<1x1x!tpu.dma_semaphore, #tpu.memory_space<semaphore_mem>>
    %dma_wait3A_563 = tpu.memref_squeeze %dma_wait3A_562 : memref<1x1x!tpu.dma_semaphore, #tpu.memory_space<semaphore_mem>> -> memref<!tpu.dma_semaphore, #tpu.memory_space<semaphore_mem>>
    %dma_wait3A_564 = arith.constant 0 : i32
    %dma_wait3A_565 = tpu.memref_slice %arg3[%dma_wait3A_552, %add3A_550, %dma_wait3A_564] : memref<4x4096x1024xf32, #tpu.memory_space<hbm>> -> memref<1x32x1024xf32, #tpu.memory_space<hbm>>
    %dma_wait3A_566 = tpu.memref_squeeze %dma_wait3A_565 : memref<1x32x1024xf32, #tpu.memory_space<hbm>> -> memref<32x1024xf32, #tpu.memory_space<hbm>>
    %dma_wait3A_567 = arith.constant 0 : i32
    %dma_wait3A_568 = arith.constant 0 : i32
    %dma_wait3A_569 = tpu.memref_slice %arg4[%dma_wait3A_551, %dma_wait3A_567, %dma_wait3A_568] : memref<2x48x1024xf32, #tpu.memory_space<vmem>> -> memref<1x32x1024xf32, #tpu.memory_space<vmem>>
    %dma_wait3A_570 = tpu.memref_squeeze %dma_wait3A_569 : memref<1x32x1024xf32, #tpu.memory_space<vmem>> -> memref<32x1024xf32, #tpu.memory_space<vmem>>
    tpu.wait_dma2 semaphore(%dma_wait3A_563 : memref<!tpu.dma_semaphore, #tpu.memory_space<semaphore_mem>>) src(%dma_wait3A_570 : memref<32x1024xf32, #tpu.memory_space<vmem>>) dst(%dma_wait3A_566 : memref<32x1024xf32, #tpu.memory_space<hbm>>)
    %add3A_571 = arith.constant 96 : i32
    %add3A_572 = arith.addi %mul3A_2, %add3A_571 : i32
    %dma_wait3A_573 = arith.constant 0 : i32
    %dma_wait3A_574 = arith.constant 1 : i32
    %dma_wait3A_575 = arith.constant 0 : i32
    %dma_wait3A_576 = arith.constant 1 : i32
    %dma_wait3A_577 = arith.constant 0 : i32
    %dma_wait3A_578 = arith.constant 0 : i32
    %dma_wait3A_579 = tpu.memref_slice %arg4[%dma_wait3A_573, %dma_wait3A_577, %dma_wait3A_578] : memref<2x48x1024xf32, #tpu.memory_space<vmem>> -> memref<1x32x1024xf32, #tpu.memory_space<vmem>>
    %dma_wait3A_580 = tpu.memref_squeeze %dma_wait3A_579 : memref<1x32x1024xf32, #tpu.memory_space<vmem>> -> memref<32x1024xf32, #tpu.memory_space<vmem>>
    %dma_wait3A_581 = arith.constant 0 : i32
    %dma_wait3A_582 = tpu.memref_slice %arg3[%dma_wait3A_574, %add3A_572, %dma_wait3A_581] : memref<4x4096x1024xf32, #tpu.memory_space<hbm>> -> memref<1x32x1024xf32, #tpu.memory_space<hbm>>
    %dma_wait3A_583 = tpu.memref_squeeze %dma_wait3A_582 : memref<1x32x1024xf32, #tpu.memory_space<hbm>> -> memref<32x1024xf32, #tpu.memory_space<hbm>>
    %dma_wait3A_584 = tpu.memref_slice %arg6[%dma_wait3A_575, %dma_wait3A_576] : memref<2x4x!tpu.dma_semaphore, #tpu.memory_space<semaphore_mem>> -> memref<1x1x!tpu.dma_semaphore, #tpu.memory_space<semaphore_mem>>
    %dma_wait3A_585 = tpu.memref_squeeze %dma_wait3A_584 : memref<1x1x!tpu.dma_semaphore, #tpu.memory_space<semaphore_mem>> -> memref<!tpu.dma_semaphore, #tpu.memory_space<semaphore_mem>>
    %dma_wait3A_586 = arith.constant 0 : i32
    %dma_wait3A_587 = tpu.memref_slice %arg3[%dma_wait3A_574, %add3A_572, %dma_wait3A_586] : memref<4x4096x1024xf32, #tpu.memory_space<hbm>> -> memref<1x32x1024xf32, #tpu.memory_space<hbm>>
    %dma_wait3A_588 = tpu.memref_squeeze %dma_wait3A_587 : memref<1x32x1024xf32, #tpu.memory_space<hbm>> -> memref<32x1024xf32, #tpu.memory_space<hbm>>
    %dma_wait3A_589 = arith.constant 0 : i32
    %dma_wait3A_590 = arith.constant 0 : i32
    %dma_wait3A_591 = tpu.memref_slice %arg4[%dma_wait3A_573, %dma_wait3A_589, %dma_wait3A_590] : memref<2x48x1024xf32, #tpu.memory_space<vmem>> -> memref<1x32x1024xf32, #tpu.memory_space<vmem>>
    %dma_wait3A_592 = tpu.memref_squeeze %dma_wait3A_591 : memref<1x32x1024xf32, #tpu.memory_space<vmem>> -> memref<32x1024xf32, #tpu.memory_space<vmem>>
    tpu.wait_dma2 semaphore(%dma_wait3A_585 : memref<!tpu.dma_semaphore, #tpu.memory_space<semaphore_mem>>) src(%dma_wait3A_592 : memref<32x1024xf32, #tpu.memory_space<vmem>>) dst(%dma_wait3A_588 : memref<32x1024xf32, #tpu.memory_space<hbm>>)
    %add3A_593 = arith.constant 96 : i32
    %add3A_594 = arith.addi %mul3A_2, %add3A_593 : i32
    %dma_wait3A_595 = arith.constant 0 : i32
    %dma_wait3A_596 = arith.constant 2 : i32
    %dma_wait3A_597 = arith.constant 0 : i32
    %dma_wait3A_598 = arith.constant 2 : i32
    %dma_wait3A_599 = arith.constant 0 : i32
    %dma_wait3A_600 = arith.constant 0 : i32
    %dma_wait3A_601 = tpu.memref_slice %arg4[%dma_wait3A_595, %dma_wait3A_599, %dma_wait3A_600] : memref<2x48x1024xf32, #tpu.memory_space<vmem>> -> memref<1x32x1024xf32, #tpu.memory_space<vmem>>
    %dma_wait3A_602 = tpu.memref_squeeze %dma_wait3A_601 : memref<1x32x1024xf32, #tpu.memory_space<vmem>> -> memref<32x1024xf32, #tpu.memory_space<vmem>>
    %dma_wait3A_603 = arith.constant 0 : i32
    %dma_wait3A_604 = tpu.memref_slice %arg3[%dma_wait3A_596, %add3A_594, %dma_wait3A_603] : memref<4x4096x1024xf32, #tpu.memory_space<hbm>> -> memref<1x32x1024xf32, #tpu.memory_space<hbm>>
    %dma_wait3A_605 = tpu.memref_squeeze %dma_wait3A_604 : memref<1x32x1024xf32, #tpu.memory_space<hbm>> -> memref<32x1024xf32, #tpu.memory_space<hbm>>
    %dma_wait3A_606 = tpu.memref_slice %arg6[%dma_wait3A_597, %dma_wait3A_598] : memref<2x4x!tpu.dma_semaphore, #tpu.memory_space<semaphore_mem>> -> memref<1x1x!tpu.dma_semaphore, #tpu.memory_space<semaphore_mem>>
    %dma_wait3A_607 = tpu.memref_squeeze %dma_wait3A_606 : memref<1x1x!tpu.dma_semaphore, #tpu.memory_space<semaphore_mem>> -> memref<!tpu.dma_semaphore, #tpu.memory_space<semaphore_mem>>
    %dma_wait3A_608 = arith.constant 0 : i32
    %dma_wait3A_609 = tpu.memref_slice %arg3[%dma_wait3A_596, %add3A_594, %dma_wait3A_608] : memref<4x4096x1024xf32, #tpu.memory_space<hbm>> -> memref<1x32x1024xf32, #tpu.memory_space<hbm>>
    %dma_wait3A_610 = tpu.memref_squeeze %dma_wait3A_609 : memref<1x32x1024xf32, #tpu.memory_space<hbm>> -> memref<32x1024xf32, #tpu.memory_space<hbm>>
    %dma_wait3A_611 = arith.constant 0 : i32
    %dma_wait3A_612 = arith.constant 0 : i32
    %dma_wait3A_613 = tpu.memref_slice %arg4[%dma_wait3A_595, %dma_wait3A_611, %dma_wait3A_612] : memref<2x48x1024xf32, #tpu.memory_space<vmem>> -> memref<1x32x1024xf32, #tpu.memory_space<vmem>>
    %dma_wait3A_614 = tpu.memref_squeeze %dma_wait3A_613 : memref<1x32x1024xf32, #tpu.memory_space<vmem>> -> memref<32x1024xf32, #tpu.memory_space<vmem>>
    tpu.wait_dma2 semaphore(%dma_wait3A_607 : memref<!tpu.dma_semaphore, #tpu.memory_space<semaphore_mem>>) src(%dma_wait3A_614 : memref<32x1024xf32, #tpu.memory_space<vmem>>) dst(%dma_wait3A_610 : memref<32x1024xf32, #tpu.memory_space<hbm>>)
    %add3A_615 = arith.constant 96 : i32
    %add3A_616 = arith.addi %mul3A_2, %add3A_615 : i32
    %dma_wait3A_617 = arith.constant 0 : i32
    %dma_wait3A_618 = arith.constant 3 : i32
    %dma_wait3A_619 = arith.constant 0 : i32
    %dma_wait3A_620 = arith.constant 3 : i32
    %dma_wait3A_621 = arith.constant 0 : i32
    %dma_wait3A_622 = arith.constant 0 : i32
    %dma_wait3A_623 = tpu.memref_slice %arg4[%dma_wait3A_617, %dma_wait3A_621, %dma_wait3A_622] : memref<2x48x1024xf32, #tpu.memory_space<vmem>> -> memref<1x32x1024xf32, #tpu.memory_space<vmem>>
    %dma_wait3A_624 = tpu.memref_squeeze %dma_wait3A_623 : memref<1x32x1024xf32, #tpu.memory_space<vmem>> -> memref<32x1024xf32, #tpu.memory_space<vmem>>
    %dma_wait3A_625 = arith.constant 0 : i32
    %dma_wait3A_626 = tpu.memref_slice %arg3[%dma_wait3A_618, %add3A_616, %dma_wait3A_625] : memref<4x4096x1024xf32, #tpu.memory_space<hbm>> -> memref<1x32x1024xf32, #tpu.memory_space<hbm>>
    %dma_wait3A_627 = tpu.memref_squeeze %dma_wait3A_626 : memref<1x32x1024xf32, #tpu.memory_space<hbm>> -> memref<32x1024xf32, #tpu.memory_space<hbm>>
    %dma_wait3A_628 = tpu.memref_slice %arg6[%dma_wait3A_619, %dma_wait3A_620] : memref<2x4x!tpu.dma_semaphore, #tpu.memory_space<semaphore_mem>> -> memref<1x1x!tpu.dma_semaphore, #tpu.memory_space<semaphore_mem>>
    %dma_wait3A_629 = tpu.memref_squeeze %dma_wait3A_628 : memref<1x1x!tpu.dma_semaphore, #tpu.memory_space<semaphore_mem>> -> memref<!tpu.dma_semaphore, #tpu.memory_space<semaphore_mem>>
    %dma_wait3A_630 = arith.constant 0 : i32
    %dma_wait3A_631 = tpu.memref_slice %arg3[%dma_wait3A_618, %add3A_616, %dma_wait3A_630] : memref<4x4096x1024xf32, #tpu.memory_space<hbm>> -> memref<1x32x1024xf32, #tpu.memory_space<hbm>>
    %dma_wait3A_632 = tpu.memref_squeeze %dma_wait3A_631 : memref<1x32x1024xf32, #tpu.memory_space<hbm>> -> memref<32x1024xf32, #tpu.memory_space<hbm>>
    %dma_wait3A_633 = arith.constant 0 : i32
    %dma_wait3A_634 = arith.constant 0 : i32
    %dma_wait3A_635 = tpu.memref_slice %arg4[%dma_wait3A_617, %dma_wait3A_633, %dma_wait3A_634] : memref<2x48x1024xf32, #tpu.memory_space<vmem>> -> memref<1x32x1024xf32, #tpu.memory_space<vmem>>
    %dma_wait3A_636 = tpu.memref_squeeze %dma_wait3A_635 : memref<1x32x1024xf32, #tpu.memory_space<vmem>> -> memref<32x1024xf32, #tpu.memory_space<vmem>>
    tpu.wait_dma2 semaphore(%dma_wait3A_629 : memref<!tpu.dma_semaphore, #tpu.memory_space<semaphore_mem>>) src(%dma_wait3A_636 : memref<32x1024xf32, #tpu.memory_space<vmem>>) dst(%dma_wait3A_632 : memref<32x1024xf32, #tpu.memory_space<hbm>>)
    return
  }
}

</mosaic_0001>

<sc_bundles>
// kernel: kernel.3.cloned.1.call-start
scs
__scs_entry_jumppad:
0x0: {  	(pc) =	sbr.rel $0x88, $3  }
0x1: {  	(tag) =	ssettag $0x0;
	lr =	simm.s32 $0x1  }
0x2: {  	[smem:$0x3FA0] =	sst lr;
	_ =	strace $0xD0000000  }
0x3: {  	_ = 	snop  }
0x4: {  	_ = 	snop  }
0x5: {  	_ = 	snop  }
0x6: {  	_ = 	snop  }
0x7: {  	_ = 	snop  }
__scs_overlays_trampoline_lowered:
0x8: {  	[smem:$0x3FAF] =	sst s0  }
0x9: {  	[smem:$0x3FB0] =	sst s1  }
0xa: {  	[smem:$0x3FB1] =	sst s2  }
0xb: {  	[smem:$0x3FB2] =	sst s3  }
0xc: {  	[smem:$0x3FB3] =	sst s4  }
0xd: {  	[smem:$0x3FB4] =	sst s5  }
0xe: {  	[smem:$0x3FB5] =	sst s6  }
0xf: {  	[smem:$0x3FB6] =	sst s7  }
0x10: {  	[smem:$0x3FB7] =	sst s8  }
0x11: {  	[smem:$0x3FB8] =	sst s9;
	s0 =	simm.s32 @!p0 $0x0  }
0x12: {  	s1 =	sld [smem:$0x3F9E];
	s0 =	simm.s32 @p0 $0x1  }
0x13: {  	[smem:$0x3FB9] =	sst s0;
	s0 =	simm.s32 @!p1 $0x0  }
0x14: {  	s2 =	sld [smem:$0x3F9D];
	s0 =	simm.s32 @p1 $0x1  }
0x15: {  	[smem:$0x3FBA] =	sst s0;
	s0 =	simm.s32 @!p2 $0x0  }
0x16: {  	s3 =	sld [smem:$0x3FDB];
	s0 =	simm.s32 @p2 $0x1  }
0x17: {  	s4 =	simm.s32 $0x1BF5;
	[smem:$0x3FBC] =	sst s0  }
0x18: {  	s0 =	sld [smem:$0x3F9F];
	_ =	swait.ge [sflag:s4], $0x0  }
0x19: {  	s7 =	sld [smem:$0x3FA0]  }
0x1a: {  	s8 =	sadd.s32 $0xFFFFE003, lr  }
0x1b: {  	s9 =	sadd.s32 $0xFFFFFEF7, lr;
	s5 =	simm.s32 $0xFFFFFFFF;
	p2 =	slt.u32 s8, $0xFFFFF086  }
0x1c: {  	p1 =	slt.u32 s9, $0xF7A;
	s5 =	simm.s32 @!p2 $0x0  }
0x1d: {  	s5 =	simm.s32 @p1 $0x1;
	p0 =	seq.s32 s7, s2  }
0x1e: {  	s7 =	smul.u32 @!p0 $0xF7A, s2;
	p2 =	seq.s32 @!p0 s5, $0x0  }
0x1f: {  	s9 =	smul.u32 $0xF7A, s1;
	s8 =	simm.s32 @!p0 $0x1BF5;
	p2 =	por !p2, p0  }
0x20: {  	[sflag:s8] =	ssyncset.s32 @!p0 $0xFFFFF086;
	s6 =	sadd.s32 @!p0 s3, s7;
	s7 =	simm.s32 @!p0 $0x108  }
0x21: {  	s3 =	sadd.s32 s3, s9;
	s6 =	sadd.s32 @!p0 $0x88, s6;
	s7 =	simm.s32 @p2 $0x1082  }
0x22: {  	[simem:s7], [sflag:s8] =	dma.local @!p0 [hbm:s6], $0xF7A  }
0x23: {  	s9 =	sor.u32 $0xD0000000, s2;
	s6 =	simm.s32 $0x108;
	_ =	swait.ge @!p0 [sflag:s8], $0x0  }
0x24: {  	s3 =	sadd.s32 $0x88, s3;
	s6 =	simm.s32 @!p1 $0x1082;
	[sflag:s4] =	ssyncset.s32 $0xFFFFF086  }
0x25: {  	[simem:s6], [sflag:s4] =	dma.local [hbm:s3], $0xF7A  }
0x26: {  	[smem:$0x3FA0] =	sst s1;
	(tag) =	ssettag s2;
	_ =	strace s9  }
0x27: {  	s1 =	sld [smem:$0x3FB0]  }
0x28: {  	s2 =	sld [smem:$0x3FB1]  }
0x29: {  	s4 =	sld [smem:$0x3FB3]  }
0x2a: {  	p0 =	seq.s32 s5, $0x0;
	s5 =	sld [smem:$0x3FB4]  }
0x2b: {  	s6 =	sld [smem:$0x3FB5]  }
0x2c: {  	s7 =	sld [smem:$0x3FB6]  }
0x2d: {  	s3 =	simm.s32 $0x108;
	s8 =	sld [smem:$0x3FB7]  }
0x2e: {  	s3 =	simm.s32 @!p0 $0x1082;
	s9 =	sld [smem:$0x3FB8]  }
0x2f: {  	lr =	sadd.s32 s0, s3;
	s0 =	sld [smem:$0x3FAF]  }
0x30: {  	s3 =	sld [smem:$0x3FB2]  }
0x31: {  	[smem:$0x3FBB] =	sst s10  }
0x32: {  	s10 =	sld [smem:$0x3FB9];
	_ =	sdelay $0x3  }
0x33: {  	p0 =	seq.s32 s10, $0x1;
	s10 =	sld [smem:$0x3FBB];
	_ =	sdelay $0x3  }
0x34: {  	[smem:$0x3FBB] =	sst s10  }
0x35: {  	s10 =	sld [smem:$0x3FBA];
	_ =	sdelay $0x3  }
0x36: {  	p1 =	seq.s32 s10, $0x1;
	s10 =	sld [smem:$0x3FBB];
	_ =	sdelay $0x3  }
0x37: {  	[smem:$0x3FBB] =	sst s10  }
0x38: {  	s10 =	sld [smem:$0x3FBC]  }
0x39: {  	_ = 	snop;
	(pc) =	sbr.ind lr, $3  }
0x3a: {  	_ = 	snop  }
0x3b: {  	_ = 	snop  }
0x3c: {  	p2 =	seq.s32 s10, $0x1;
	s10 =	sld [smem:$0x3FBB]  }
0x3d: {  	_ =	shalt  }
0x3e: {  	_ =	shalt  }
0x3f: {  	_ =	shalt  }
0x40: {  	_ =	shalt  }
0x41: {  	_ =	shalt  }
0x42: {  	_ =	shalt  }
0x43: {  	_ =	shalt  }
0x44: {  	_ =	shalt  }
0x45: {  	_ =	shalt  }
0x46: {  	_ =	shalt  }
0x47: {  	_ =	shalt  }
0x48: {  	_ =	shalt  }
0x49: {  	_ =	shalt  }
0x4a: {  	_ =	shalt  }
0x4b: {  	_ =	shalt  }
0x4c: {  	_ =	shalt  }
0x4d: {  	_ =	shalt  }
0x4e: {  	_ =	shalt  }
0x4f: {  	_ =	shalt  }
0x50: {  	_ =	shalt  }
0x51: {  	_ =	shalt  }
0x52: {  	_ =	shalt  }
0x53: {  	_ =	shalt  }
0x54: {  	_ =	shalt  }
0x55: {  	_ =	shalt  }
0x56: {  	_ =	shalt  }
0x57: {  	_ =	shalt  }
0x58: {  	_ =	shalt  }
0x59: {  	_ =	shalt  }
0x5a: {  	_ =	shalt  }
0x5b: {  	_ =	shalt  }
0x5c: {  	_ =	shalt  }
0x5d: {  	_ =	shalt  }
0x5e: {  	_ =	shalt  }
0x5f: {  	_ =	shalt  }
0x60: {  	_ =	shalt  }
0x61: {  	_ =	shalt  }
0x62: {  	_ =	shalt  }
0x63: {  	_ =	shalt  }
0x64: {  	_ =	shalt  }
0x65: {  	_ =	shalt  }
0x66: {  	_ =	shalt  }
0x67: {  	_ =	shalt  }
0x68: {  	_ =	shalt  }
0x69: {  	_ =	shalt  }
0x6a: {  	_ =	shalt  }
0x6b: {  	_ =	shalt  }
0x6c: {  	_ =	shalt  }
0x6d: {  	_ =	shalt  }
0x6e: {  	_ =	shalt  }
0x6f: {  	_ =	shalt  }
0x70: {  	_ =	shalt  }
0x71: {  	_ =	shalt  }
0x72: {  	_ =	shalt  }
0x73: {  	_ =	shalt  }
0x74: {  	_ =	shalt  }
0x75: {  	_ =	shalt  }
0x76: {  	_ =	shalt  }
0x77: {  	_ =	shalt  }
0x78: {  	_ =	shalt  }
0x79: {  	_ =	shalt  }
0x7a: {  	_ =	shalt  }
0x7b: {  	_ =	shalt  }
0x7c: {  	_ =	shalt  }
0x7d: {  	_ =	shalt  }
0x7e: {  	_ =	shalt  }
0x7f: {  	_ =	shalt  }
0x80: {  	_ =	shalt  }
0x81: {  	_ =	shalt  }
0x82: {  	_ =	shalt  }
0x83: {  	_ =	shalt  }
0x84: {  	_ =	shalt  }
0x85: {  	_ =	shalt  }
0x86: {  	_ =	shalt  }
0x87: {  	_ =	shalt  }
.Lfunc_end0:
.L_simem_size_0:
called_computation_lowered:
.L_overlay_start_0:
0x88: {  	s2 =	sld [smem:$0x3FD9]  }
0x89: {  	s3 =	sld [smem:$0x3FFE];
	_ =	sdelay $0x1  }
0x8a: {  	s1 =	srdreg.scid  }
0x8b: {  	s0 =	sand.u32 $0x1, s1  }
0x8c: {  	s18 =	sshll.u32 s0, $0xA;
	s2 =	sadd.s32 s3, s2  }
0x8d: {  	s2 =	sadd.s32 s2, s18  }
0x8e: {  	[smem:$0x3FC7] =	sst s2  }
0x8f: {  	_ = 	snop  }
0x90: {  	s2 =	sld [smem:$0x3FC9]  }
0x91: {  	s19 =	sld [smem:$0x3FD0];
	(tm) =	ssettm $0x1  }
0x92: {  	s4 =	sld [smem:$0x3FFB];
	_ =	sdelay $0x3  }
0x93: {  	_ =	strace s4  }
0x94: {  	s4 =	sld [smem:$0x3FFC];
	_ =	sdelay $0x3  }
0x95: {  	_ =	strace s4  }
0x96: {  	s4 =	sld [smem:$0x3FFD];
	_ =	sdelay $0x3  }
0x97: {  	_ =	strace s4  }
0x98: {  	_ =	strace $0x8FFFFFFF  }
0x99: {  	s20 =	sld [smem:$0x3FDB];
	_ =	sdelay $0x1  }
0x9a: {  	s5 =	simm.s32 $_scs_section_size  }
0x9b: {  	s6 =	simm.s32 $_size__tile_overlayer_lowered;
	s7 =	simm.s32 $_tile_overlayer_lowered  }
0x9c: {  	s23 =	simm.s32 $0x1BFF;
	s22 =	sshll.u32 s7, $0x1;
	s4 =	sadd.s32 s5, s20  }
0x9d: {  	s8 =	simm.s32 $0x0;
	s21 =	sshll.u32 s6, $0x1;
	s6 =	sadd.s32 s22, s4  }
0x9e: {  	[timem:s8], [sflag:s23] =	dma.local [hbm:s6], s21  }
0x9f: {  	_ =	swait.ge [sflag:s23], s21  }
0xa0: {  	s5 =	ssub.s32 $0x0, s21;
	[sflag:s23] =	ssyncset.done $0x0  }
0xa1: {  	[sflag:s23] =	ssyncadd.s32 s5;
	_ =	sdelay $0x1  }
0xa2: {  	s24 =	simm.s32 $0x1B8B  }
0xa3: {  	_ =	swait.ge [sflag:s24], $0x1  }
0xa4: {  	[sflag:s24] =	ssyncset.done $0x0  }
0xa5: {  	s25 =	simm.s32 $0x1B8E;
	[sflag:s24] =	ssyncadd.s32 $0xFFFFFFFF  }
0xa6: {  	s26 =	simm.s32 $execute0_lowered;
	[smem:$0x3FD2] =	sst s25  }
0xa7: {  	s5 =	sshll.u32 s26, $0x1;
	_ =	strace $0x80000046;
	[dreg:$0x1] =	wrdreg $0xFFFFFFFF  }
0xa8: {  	s28 =	simm.s32 $_size_execute0_lowered;
	s4 =	sadd.s32 s4, s5;
	[dreg:$0x0] =	wrdreg $0x0  }
0xa9: {  	s5 =	sshll.u32 s28, $0x1;
	[dreg:$0x2] =	wrdreg s4  }
0xaa: {  	[dreg:$0x3] =	wrdreg s5  }
0xab: {  	[dreg:$0x4] =	wrdreg $0xC0  }
0xac: {  	_ =	task [dreg:s8], $0x5FFFF  }
0xad: {  	[dreg:$0x1] =	wrdreg $0xFFFFFFFF  }
0xae: {  	[dreg:$0x0] =	wrdreg $0x60  }
0xaf: {  	[dreg:$0x2] =	wrdreg s2  }
0xb0: {  	[dreg:$0x3] =	wrdreg s19  }
0xb1: {  	[dreg:$0x4] =	wrdreg $0x9  }
0xb2: {  	_ =	task.clear_ibuf [dreg:s8], $0x5FFFF;
	_ =	strace $0x90000046  }
0xb3: {  	s29 =	simm.s32 $0x9;
	_ =	strace $0x80000048  }
0xb4: {  	_ =	swait.ge [sflag:s29], $0x1  }
0xb5: {  	[sflag:s29] =	ssyncadd.s32 $0xFFFFFFFF  }
0xb6: {  	_ =	strace $0x90000048  }
0xb7: {  	_ =	sfence  }
0xb8: {  	s30 =	sld [smem:$0x0];
	_ =	sdelay $0x2  }
0xb9: {  	s31 =	sshll.u32 s1, $0xD;
	s1 =	sshrl.u32 s1, $0x2  }
0xba: {  	s3 =	sand.u32 $0x4000, s31;
	s1 =	sadd.s32 s1, s30  }
0xbb: {  	s0 =	sor.u32 s3, s0;
	s1 =	sshll.u32 s1, $0x11  }
0xbc: {  	s0 =	sor.u32 s1, s0  }
0xbd: {  	s0 =	sadd.s32 $0x8F2B, s0  }
0xbe: {  	[sflag:s0] =	ssyncadd.remote.s32 $0x1  }
0xbf: {  	_ =	sfence.sel $0xFFFF  }
0xc0: {  	[dreg:$0x0] =	wrdreg $0xFFFFFFFF;
	(pc) =	sbr.abs _section_cstart, $3  }
0xc1: {  	[dreg:$0x1] =	wrdreg $0xFFFFFFFF  }
0xc2: {  	_ =	task.clear_ibuf [dreg:s8], $0x2FFFF;
	_ =	strace $0x9FFFFFFF  }
0xc3: {  	(tm) =	ssettm $0x7FFFFFFF  }
tec
execute0_lowered:
.L_overlay_start_1:
0x0: {  	(tag) =	ssettag $0x1  }
0x1: {  	s16 =	rddreg [dreg:$0x0]  }
0x2: {  	s23 =	rddreg [dreg:$0x1];
	s2 =	srdreg.scid  }
0x3: {  	s0 =	rddreg [dreg:$0x2];
	s1 =	stileid.u32;
	s30 =	sand.u32 $0x1, s2  }
0x4: {  	s2 =	simm.s32 $0x0;
	s3 =	sshll.u32 s1, $0xF;
	s4 =	sshll.u32 s30, $0xE  }
0x5: {  	[smem:$0x7FF] =	sst s2;
	s17 =	sor.u32 s4, s3  }
0x6: {  	_ =	strace $0x80000047;
	s4 =	simm.s32 $0x1;
	s3 =	sadd.s32 s16, s17  }
0x7: {  	[tilespmem:s2], [sflag:$0x1] =	stream.linear.gather [hbm4b:s3+s2], $0xC000, $0x38;
	[tilespmem:$0x18000] =	vst v63  }
0x8: {  	_ =	swait.ge [sflag:s4], $0xC000  }
0x9: {  	s20 =	sor.u32 $0x1800, s17;
	[sflag:s4] =	ssyncset.done $0x0  }
0xa: {  	s6 =	simm.s32 $0xC000;
	s5 =	sadd.s32 s16, s20;
	[sflag:s4] =	ssyncadd.s32 $0xFFFF4000  }
0xb: {  	[tilespmem:s6], [sflag:$0x2] =	stream.linear.gather [hbm4b:s5+s2], $0xC000, $0x38;
	[tilespmem:$0x18000] =	vst v63  }
0xc: {  	s7 =	sadd.s32 s23, s17  }
0xd: {  	[hbm4b:s7+s2] =	stream.linear.scatter [tilespmem:s2], [sflag:$0x3], $0xC000, $0x38;
	[tilespmem:$0x18000] =	vst v63  }
0xe: {  	s8 =	sadd.s32 $0x80000, s7  }
0xf: {  	[hbm4b:s8+s2] =	stream.linear.scatter [tilespmem:s2], [sflag:$0x4], $0xC000, $0x38;
	[tilespmem:$0x18000] =	vst v63  }
0x10: {  	s9 =	sadd.s32 $0x100000, s7  }
0x11: {  	[hbm4b:s9+s2] =	stream.linear.scatter [tilespmem:s2], [sflag:$0x5], $0xC000, $0x38;
	[tilespmem:$0x18000] =	vst v63  }
0x12: {  	s11 =	simm.s32 $0x2;
	s10 =	sadd.s32 $0x180000, s7  }
0x13: {  	[hbm4b:s10+s2] =	stream.linear.scatter [tilespmem:s2], [sflag:$0x6], $0xC000, $0x38;
	[tilespmem:$0x18000] =	vst v63  }
0x14: {  	_ =	swait.ge [sflag:s11], $0xC000  }
0x15: {  	[sflag:s11] =	ssyncset.done $0x0  }
0x16: {  	s12 =	simm.s32 $0x3;
	[sflag:s11] =	ssyncadd.s32 $0xFFFF4000  }
0x17: {  	_ =	swait.ge [sflag:s12], $0xC000  }
0x18: {  	[sflag:s12] =	ssyncset.done $0x0  }
0x19: {  	s13 =	simm.s32 $0x4;
	[sflag:s12] =	ssyncadd.s32 $0xFFFF4000  }
0x1a: {  	_ =	swait.ge [sflag:s13], $0xC000  }
0x1b: {  	[sflag:s13] =	ssyncset.done $0x0  }
0x1c: {  	s14 =	simm.s32 $0x5;
	[sflag:s13] =	ssyncadd.s32 $0xFFFF4000  }
0x1d: {  	_ =	swait.ge [sflag:s14], $0xC000  }
0x1e: {  	[sflag:s14] =	ssyncset.done $0x0  }
0x1f: {  	s15 =	simm.s32 $0x6;
	[sflag:s14] =	ssyncadd.s32 $0xFFFF4000  }
0x20: {  	_ =	swait.ge [sflag:s15], $0xC000  }
0x21: {  	s24 =	sor.u32 $0x3000, s17;
	[sflag:s15] =	ssyncset.done $0x0  }
0x22: {  	s16 =	sadd.s32 s16, s24;
	[sflag:s15] =	ssyncadd.s32 $0xFFFF4000  }
0x23: {  	[tilespmem:s2], [sflag:$0x1] =	stream.linear.gather [hbm4b:s16+s2], $0x8000, $0x38;
	[tilespmem:$0x18000] =	vst v63  }
0x24: {  	s17 =	sadd.s32 $0x81800, s7  }
0x25: {  	[hbm4b:s17+s2] =	stream.linear.scatter [tilespmem:s6], [sflag:$0x8], $0xC000, $0x38;
	[tilespmem:$0x18000] =	vst v63  }
0x26: {  	s18 =	sadd.s32 $0x101800, s7  }
0x27: {  	[hbm4b:s18+s2] =	stream.linear.scatter [tilespmem:s6], [sflag:$0x9], $0xC000, $0x38;
	[tilespmem:$0x18000] =	vst v63  }
0x28: {  	s19 =	sadd.s32 $0x181800, s7  }
0x29: {  	[hbm4b:s19+s2] =	stream.linear.scatter [tilespmem:s6], [sflag:$0xA], $0xC000, $0x38;
	[tilespmem:$0x18000] =	vst v63  }
0x2a: {  	s20 =	sadd.s32 s23, s20  }
0x2b: {  	[hbm4b:s20+s2] =	stream.linear.scatter [tilespmem:s6], [sflag:$0x7], $0xC000, $0x38;
	[tilespmem:$0x18000] =	vst v63  }
0x2c: {  	_ =	swait.ge [sflag:s4], $0x8000  }
0x2d: {  	[sflag:s4] =	ssyncset.done $0x0  }
0x2e: {  	s21 =	sadd.s32 $0x103000, s7;
	[sflag:s4] =	ssyncadd.s32 $0xFFFF8000  }
0x2f: {  	[hbm4b:s21+s2] =	stream.linear.scatter [tilespmem:s2], [sflag:$0x5], $0x8000, $0x38;
	[tilespmem:$0x18000] =	vst v63  }
0x30: {  	s22 =	sadd.s32 $0x183000, s7  }
0x31: {  	[hbm4b:s22+s2] =	stream.linear.scatter [tilespmem:s2], [sflag:$0x6], $0x8000, $0x38;
	[tilespmem:$0x18000] =	vst v63  }
0x32: {  	s23 =	sadd.s32 s23, s24  }
0x33: {  	[hbm4b:s23+s2] =	stream.linear.scatter [tilespmem:s2], [sflag:$0x3], $0x8000, $0x38;
	[tilespmem:$0x18000] =	vst v63  }
0x34: {  	s25 =	simm.s32 $0x7;
	s24 =	sadd.s32 $0x83000, s7  }
0x35: {  	[hbm4b:s24+s2] =	stream.linear.scatter [tilespmem:s2], [sflag:$0x4], $0x8000, $0x38;
	[tilespmem:$0x18000] =	vst v63  }
0x36: {  	_ =	swait.ge [sflag:s25], $0xC000  }
0x37: {  	[sflag:s25] =	ssyncset.done $0x0  }
0x38: {  	s26 =	simm.s32 $0x8;
	[sflag:s25] =	ssyncadd.s32 $0xFFFF4000  }
0x39: {  	_ =	swait.ge [sflag:s26], $0xC000  }
0x3a: {  	[sflag:s26] =	ssyncset.done $0x0  }
0x3b: {  	s28 =	simm.s32 $0x9;
	[sflag:s26] =	ssyncadd.s32 $0xFFFF4000  }
0x3c: {  	_ =	swait.ge [sflag:s28], $0xC000  }
0x3d: {  	[sflag:s28] =	ssyncset.done $0x0  }
0x3e: {  	s29 =	simm.s32 $0xA;
	[sflag:s28] =	ssyncadd.s32 $0xFFFF4000  }
0x3f: {  	_ =	swait.ge [sflag:s29], $0xC000  }
0x40: {  	[sflag:s29] =	ssyncset.done $0x0  }
0x41: {  	[sflag:s29] =	ssyncadd.s32 $0xFFFF4000  }
0x42: {  	_ =	swait.ge [sflag:s12], $0x8000  }
0x43: {  	s30 =	ssub.s32 $0x2, s30;
	[sflag:s12] =	ssyncset.done $0x0  }
0x44: {  	s31 =	sshrl.u32 s30, $0x1;
	[sflag:s12] =	ssyncadd.s32 $0xFFFF8000  }
0x45: {  	s30 =	ssub.s32 s30, s31;
	_ =	swait.ge [sflag:s13], $0x8000  }
0x46: {  	s30 =	smax.u32 s30, $0x1;
	[sflag:s13] =	ssyncset.done $0x0  }
0x47: {  	p0 =	sne.s32 s30, $0x1;
	[sflag:s13] =	ssyncadd.s32 $0xFFFF8000  }
.Ltmp0:
0x48: {  	_ =	swait.ge [sflag:s14], $0x8000;
	(pc) =	sbr.rel @!p0 .LBB2_2-.Ltmp0, $4  }
0x49: {  	[sflag:s14] =	ssyncset.done $0x0  }
0x4a: {  	[sflag:s14] =	ssyncadd.s32 $0xFFFF8000  }
0x4b: {  	_ =	swait.ge [sflag:s15], $0x8000  }
0x4c: {  	s30 =	sadd.s32 $0xFFFFFFFF, s30;
	[sflag:s15] =	ssyncset.done $0x0  }
.LBB2_1:
0x4d: {  	p0 =	sne.s32 s30, $0x1;
	s30 =	sadd.s32 $0xFFFFFFFF, s30;
	[sflag:s15] =	ssyncadd.s32 $0xFFFF8000  }
0x4e: {  	[tilespmem:s2], [sflag:$0x1] =	stream.linear.gather [hbm4b:s3+s2], $0xC000, $0x38;
	[tilespmem:$0x18000] =	vst v63  }
0x4f: {  	_ =	swait.ge [sflag:s4], $0xC000  }
0x50: {  	[sflag:s4] =	ssyncset.done $0x0  }
0x51: {  	[sflag:s4] =	ssyncadd.s32 $0xFFFF4000  }
0x52: {  	[tilespmem:s6], [sflag:$0x2] =	stream.linear.gather [hbm4b:s5+s2], $0xC000, $0x38;
	[tilespmem:$0x18000] =	vst v63  }
0x53: {  	_ = 	snop  }
0x54: {  	[hbm4b:s7+s2] =	stream.linear.scatter [tilespmem:s2], [sflag:$0x3], $0xC000, $0x38;
	[tilespmem:$0x18000] =	vst v63  }
0x55: {  	_ = 	snop  }
0x56: {  	[hbm4b:s8+s2] =	stream.linear.scatter [tilespmem:s2], [sflag:$0x4], $0xC000, $0x38;
	[tilespmem:$0x18000] =	vst v63  }
0x57: {  	_ = 	snop  }
0x58: {  	[hbm4b:s9+s2] =	stream.linear.scatter [tilespmem:s2], [sflag:$0x5], $0xC000, $0x38;
	[tilespmem:$0x18000] =	vst v63  }
0x59: {  	_ = 	snop  }
0x5a: {  	[hbm4b:s10+s2] =	stream.linear.scatter [tilespmem:s2], [sflag:$0x6], $0xC000, $0x38;
	[tilespmem:$0x18000] =	vst v63  }
0x5b: {  	_ =	swait.ge [sflag:s11], $0xC000  }
0x5c: {  	[sflag:s11] =	ssyncset.done $0x0  }
0x5d: {  	[sflag:s11] =	ssyncadd.s32 $0xFFFF4000  }
0x5e: {  	_ =	swait.ge [sflag:s12], $0xC000  }
0x5f: {  	[sflag:s12] =	ssyncset.done $0x0  }
0x60: {  	[sflag:s12] =	ssyncadd.s32 $0xFFFF4000  }
0x61: {  	_ =	swait.ge [sflag:s13], $0xC000  }
0x62: {  	[sflag:s13] =	ssyncset.done $0x0  }
0x63: {  	[sflag:s13] =	ssyncadd.s32 $0xFFFF4000  }
0x64: {  	_ =	swait.ge [sflag:s14], $0xC000  }
0x65: {  	[sflag:s14] =	ssyncset.done $0x0  }
0x66: {  	[sflag:s14] =	ssyncadd.s32 $0xFFFF4000  }
0x67: {  	_ =	swait.ge [sflag:s15], $0xC000  }
0x68: {  	[sflag:s15] =	ssyncset.done $0x0  }
0x69: {  	[sflag:s15] =	ssyncadd.s32 $0xFFFF4000  }
0x6a: {  	[tilespmem:s2], [sflag:$0x1] =	stream.linear.gather [hbm4b:s16+s2], $0x8000, $0x38;
	[tilespmem:$0x18000] =	vst v63  }
0x6b: {  	_ = 	snop  }
0x6c: {  	[hbm4b:s17+s2] =	stream.linear.scatter [tilespmem:s6], [sflag:$0x8], $0xC000, $0x38;
	[tilespmem:$0x18000] =	vst v63  }
0x6d: {  	_ = 	snop  }
0x6e: {  	[hbm4b:s18+s2] =	stream.linear.scatter [tilespmem:s6], [sflag:$0x9], $0xC000, $0x38;
	[tilespmem:$0x18000] =	vst v63  }
0x6f: {  	_ = 	snop  }
0x70: {  	[hbm4b:s19+s2] =	stream.linear.scatter [tilespmem:s6], [sflag:$0xA], $0xC000, $0x38;
	[tilespmem:$0x18000] =	vst v63  }
0x71: {  	_ = 	snop  }
0x72: {  	[hbm4b:s20+s2] =	stream.linear.scatter [tilespmem:s6], [sflag:$0x7], $0xC000, $0x38;
	[tilespmem:$0x18000] =	vst v63  }
0x73: {  	_ =	swait.ge [sflag:s4], $0x8000  }
0x74: {  	[sflag:s4] =	ssyncset.done $0x0  }
0x75: {  	[sflag:s4] =	ssyncadd.s32 $0xFFFF8000  }
0x76: {  	[hbm4b:s21+s2] =	stream.linear.scatter [tilespmem:s2], [sflag:$0x5], $0x8000, $0x38;
	[tilespmem:$0x18000] =	vst v63  }
0x77: {  	_ = 	snop  }
0x78: {  	[hbm4b:s22+s2] =	stream.linear.scatter [tilespmem:s2], [sflag:$0x6], $0x8000, $0x38;
	[tilespmem:$0x18000] =	vst v63  }
0x79: {  	_ = 	snop  }
0x7a: {  	[hbm4b:s23+s2] =	stream.linear.scatter [tilespmem:s2], [sflag:$0x3], $0x8000, $0x38;
	[tilespmem:$0x18000] =	vst v63  }
0x7b: {  	_ = 	snop  }
0x7c: {  	[hbm4b:s24+s2] =	stream.linear.scatter [tilespmem:s2], [sflag:$0x4], $0x8000, $0x38;
	[tilespmem:$0x18000] =	vst v63  }
0x7d: {  	_ =	swait.ge [sflag:s25], $0xC000  }
0x7e: {  	[sflag:s25] =	ssyncset.done $0x0  }
0x7f: {  	[sflag:s25] =	ssyncadd.s32 $0xFFFF4000  }
0x80: {  	_ =	swait.ge [sflag:s26], $0xC000  }
0x81: {  	[sflag:s26] =	ssyncset.done $0x0  }
0x82: {  	[sflag:s26] =	ssyncadd.s32 $0xFFFF4000  }
0x83: {  	_ =	swait.ge [sflag:s28], $0xC000  }
0x84: {  	[sflag:s28] =	ssyncset.done $0x0  }
0x85: {  	[sflag:s28] =	ssyncadd.s32 $0xFFFF4000  }
0x86: {  	_ =	swait.ge [sflag:s29], $0xC000  }
0x87: {  	[sflag:s29] =	ssyncset.done $0x0  }
0x88: {  	[sflag:s29] =	ssyncadd.s32 $0xFFFF4000  }
0x89: {  	_ =	swait.ge [sflag:s12], $0x8000  }
0x8a: {  	[sflag:s12] =	ssyncset.done $0x0  }
0x8b: {  	[sflag:s12] =	ssyncadd.s32 $0xFFFF8000  }
0x8c: {  	_ =	swait.ge [sflag:s13], $0x8000  }
0x8d: {  	[sflag:s13] =	ssyncset.done $0x0  }
0x8e: {  	[sflag:s13] =	ssyncadd.s32 $0xFFFF8000  }
.Ltmp1:
0x8f: {  	_ =	swait.ge [sflag:s14], $0x8000;
	(pc) =	sbr.rel @p0 .LBB2_1-.Ltmp1, $4  }
0x90: {  	[sflag:s14] =	ssyncset.done $0x0  }
0x91: {  	[sflag:s14] =	ssyncadd.s32 $0xFFFF8000  }
0x92: {  	_ =	swait.ge [sflag:s15], $0x8000  }
0x93: {  	[sflag:s15] =	ssyncset.done $0x0  }
.LBB2_2:
0x94: {  	[sflag:s15] =	ssyncadd.s32 $0xFFFF8000  }
0x95: {  	_ =	sfence.sel $0x180000  }
0x96: {  	[bflag:$0x0] =	sbarrier.arrive $0xFFFF  }
0x97: {  	p0 =	sne.s32 s1, $0x0;
	_ =	strace $0x90000047  }
0x98: {  	s0 =	sadd.s32 @!p0 $0x100000, s0;
	[bflag:$0x2] =	sbarrier.arrive $0xFFFF  }
0x99: {  	[sflag:s0] =	ssyncadd.tile.s32 @!p0 $0x1;
	_ =	shalt  }
.Lfunc_end2:
_tile_overlayer_lowered:
.L_overlay_start_2:
0x9a: {  	(tag) =	ssettag $0x2  }
0x9b: {  	s0 =	rddreg [dreg:$0x0];
	s2 =	stileid.u32  }
0x9c: {  	s1 =	rddreg [dreg:$0x1];
	p0 =	sne.s32 s2, $0x0  }
0x9d: {  	s3 =	rddreg [dreg:$0x2];
	[bflag:$0x3] =	sbarrier.arrive $0xFFFF;
	s2 =	simm.s32 @!p0 $0x1C0B  }
0x9e: {  	[timem:s3], [sflag:s2] =	dma.local @!p0 [hbm:s0], s1  }
0x9f: {  	s0 =	simm.s32 @!p0 $0xB  }
0xa0: {  	_ =	swait.ge @!p0 [sflag:s0], s1  }
0xa1: {  	s1 =	ssub.s32 @!p0 $0x0, s1;
	[sflag:s0] =	ssyncset.done @!p0 $0x0  }
0xa2: {  	[sflag:s0] =	ssyncadd.s32 @!p0 s1  }
0xa3: {  	[bflag:$0x3] =	sbarrier.arrive $0xFFFF  }
0xa4: {  	_ =	shalt  }

</sc_bundles>
